<compile_context>
chip_gen: v7x
topology: tpu7x:2x2x1
jax: 0.10.2.dev20260603
libtpu: 0.0.44.dev20260713+nightly
codegen_flags: <defaults>
</compile_context>

<pallas_src>
import functools

import jax
import jax.numpy as jnp
from jax import lax
from jax.experimental import pallas as pl
from jax.experimental.pallas import tpu as pltpu
from jax.experimental.pallas import tpu_sc as plsc

N = 10000
E = 320000
D = 128

NC = 2
NS = 16
NW = NC * NS

NPAD = 10240
ROWS_PER_TILE = NPAD // NS
CHUNK = 128
CHUNKS_PER_W = 79
EW = CHUNKS_PER_W * CHUNK
E_PAD = NW * EW

_mesh = plsc.VectorSubcoreMesh(core_axis_name="c", subcore_axis_name="s")


@functools.partial(
    pl.kernel,
    out_type=jax.ShapeDtypeStruct((NW, NPAD), jnp.float32),
    mesh=_mesh,
    scratch_types=[
        pltpu.VMEM((EW,), jnp.int32),
        pltpu.VMEM((NPAD,), jnp.float32),
    ],
    compiler_params=pltpu.CompilerParams(needs_layout_passes=False),
)
def _deg_kernel(dst_hbm, deg_out, idx_v, acc_v):
    c = lax.axis_index("c")
    s = lax.axis_index("s")
    w = c * NS + s

    def zero_body(i, _):
        acc_v[pl.ds(i * 16, 16)] = jnp.zeros((16,), jnp.float32)
        return 0

    lax.fori_loop(0, NPAD // 16, zero_body, 0)
    pltpu.sync_copy(dst_hbm.at[c, s], idx_v)

    ones = jnp.ones((16,), jnp.float32)

    def body(j, _):
        idx16 = idx_v[pl.ds(j * 16, 16)]
        plsc.addupdate_scatter(acc_v, [idx16], ones)
        return 0

    lax.fori_loop(0, EW // 16, body, 0)
    pltpu.sync_copy(acc_v, deg_out.at[w])


@functools.partial(
    pl.kernel,
    out_type=jax.ShapeDtypeStruct((NC, NPAD, D), jnp.float32),
    mesh=_mesh,
    scratch_types=[
        pltpu.VMEM_SHARED((NPAD, D), jnp.float32),
        pltpu.VMEM((CHUNKS_PER_W, CHUNK), jnp.int32),
        pltpu.VMEM((CHUNKS_PER_W, CHUNK), jnp.int32),
        pltpu.VMEM((CHUNK, D), jnp.float32),
        pltpu.SemaphoreType.DMA,
    ],
    compiler_params=pltpu.CompilerParams(needs_layout_passes=False),
)
def _hop_kernel(x_hbm, src_hbm, dst_hbm, zeros_hbm, part_out,
                acc_sh, srcix, dstix, rows, sem):
    c = lax.axis_index("c")
    s = lax.axis_index("s")
    row0 = s * ROWS_PER_TILE

    pltpu.sync_copy(zeros_hbm, acc_sh.at[pl.ds(row0, ROWS_PER_TILE)])
    pltpu.sync_copy(src_hbm.at[c, s], srcix)
    pltpu.sync_copy(dst_hbm.at[c, s], dstix)
    plsc.subcore_barrier()

    def body(j, _):
        pltpu.async_copy(x_hbm.at[srcix.at[j]], rows, sem).wait()
        pltpu.sync_copy(rows, acc_sh.at[dstix.at[j]], add=True)
        return 0

    lax.fori_loop(0, CHUNKS_PER_W, body, 0)
    plsc.subcore_barrier()
    pltpu.sync_copy(acc_sh.at[pl.ds(row0, ROWS_PER_TILE)],
                    part_out.at[c, pl.ds(row0, ROWS_PER_TILE)])


_BLK = 512
_GRID = NPAD // _BLK


def _norm_x0_body(dp_ref, feat_ref, x0_ref, norm_ref, norm2_ref):
    deg = jnp.sum(dp_ref[...], axis=0)
    nrm = lax.rsqrt(jnp.clip(deg, 1.0, None))
    norm_ref[...] = nrm
    norm2_ref[...] = nrm * nrm
    x0_ref[...] = feat_ref[...] * nrm[:, None]


def _scale_sum_body(part_ref, sc_ref, out_ref):
    out_ref[...] = (part_ref[0] + part_ref[1]) * sc_ref[...][:, None]


def _final_body(part_ref, norm_ref, feat_ref, wfc_ref, wres_ref,
                bfc_ref, bres_ref, out_ref):
    h = (part_ref[0] + part_ref[1]) * norm_ref[...][:, None]
    out_ref[...] = (
        jnp.dot(h, wfc_ref[...], preferred_element_type=jnp.float32)
        + jnp.dot(feat_ref[...], wres_ref[...],
                  preferred_element_type=jnp.float32)
        + bfc_ref[...][None, :] + bres_ref[...][None, :]
    )


_norm_x0 = pl.pallas_call(
    _norm_x0_body,
    grid=(_GRID,),
    in_specs=[
        pl.BlockSpec((NW, _BLK), lambda i: (0, i)),
        pl.BlockSpec((_BLK, D), lambda i: (i, 0)),
    ],
    out_specs=[
        pl.BlockSpec((_BLK, D), lambda i: (i, 0)),
        pl.BlockSpec((_BLK,), lambda i: (i,)),
        pl.BlockSpec((_BLK,), lambda i: (i,)),
    ],
    out_shape=[
        jax.ShapeDtypeStruct((NPAD, D), jnp.float32),
        jax.ShapeDtypeStruct((NPAD,), jnp.float32),
        jax.ShapeDtypeStruct((NPAD,), jnp.float32),
    ],
)

_scale_sum = pl.pallas_call(
    _scale_sum_body,
    grid=(_GRID,),
    in_specs=[
        pl.BlockSpec((NC, _BLK, D), lambda i: (0, i, 0)),
        pl.BlockSpec((_BLK,), lambda i: (i,)),
    ],
    out_specs=pl.BlockSpec((_BLK, D), lambda i: (i, 0)),
    out_shape=jax.ShapeDtypeStruct((NPAD, D), jnp.float32),
)

_final = pl.pallas_call(
    _final_body,
    grid=(_GRID,),
    in_specs=[
        pl.BlockSpec((NC, _BLK, D), lambda i: (0, i, 0)),
        pl.BlockSpec((_BLK,), lambda i: (i,)),
        pl.BlockSpec((_BLK, D), lambda i: (i, 0)),
        pl.BlockSpec((D, D), lambda i: (0, 0)),
        pl.BlockSpec((D, D), lambda i: (0, 0)),
        pl.BlockSpec((D,), lambda i: (0,)),
        pl.BlockSpec((D,), lambda i: (0,)),
    ],
    out_specs=pl.BlockSpec((_BLK, D), lambda i: (i, 0)),
    out_shape=jax.ShapeDtypeStruct((NPAD, D), jnp.float32),
)


@jax.jit
def kernel(feat, edge_index, W_fc, b_fc, W_res, b_res):
    src = jnp.concatenate(
        [edge_index[0], jnp.zeros((E_PAD - E,), jnp.int32)])
    pad_dst = N + (jnp.arange(E_PAD - E, dtype=jnp.int32) % (NPAD - N))
    dst = jnp.concatenate([edge_index[1], pad_dst])
    src4 = src.reshape(NC, NS, CHUNKS_PER_W, CHUNK)
    dst4 = dst.reshape(NC, NS, CHUNKS_PER_W, CHUNK)
    dst3 = dst.reshape(NC, NS, EW)

    feat_pad = jnp.zeros((NPAD, D), jnp.float32).at[:N].set(feat)
    zeros_blk = jnp.zeros((ROWS_PER_TILE, D), jnp.float32)

    deg_parts = _deg_kernel(dst3)
    x0, norm, norm2 = _norm_x0(deg_parts, feat_pad)

    s1 = _hop_kernel(x0, src4, dst4, zeros_blk)
    x1 = _scale_sum(s1, norm2)
    s2 = _hop_kernel(x1, src4, dst4, zeros_blk)

    out = _final(s2, norm, feat_pad, W_fc, W_res, b_fc, b_res)
    return out[:N]

# --- scband reference (transcript-rebuilt; emitter-appended) ---
"""Pipeline reference for scband-sgclayer-22402549415972 (READ-ONLY COPY).

The authoritative reference and input builder live on the scoring server;
editing this copy changes nothing except your own understanding.
"""

import jax, jax.numpy as jnp
import numpy as np

N = 10000
E = 320000
D_IN = 128
D_OUT = 128
K = 2


def setup_inputs(seed: int = 0) -> dict:
    key = jax.random.key(seed)
    k1, k2, k3, k4, k5, k6 = jax.random.split(key, 6)
    feat = jax.random.normal(k1, (N, D_IN), dtype=jnp.float32)
    edge_index = jax.random.randint(k2, (2, E), 0, N, dtype=jnp.int32)
    # SGConv fc parameters
    W_fc = jax.random.normal(k3, (D_IN, D_OUT), dtype=jnp.float32) * 0.05
    b_fc = jnp.zeros((D_OUT,), dtype=jnp.float32)
    # residual linear parameters
    W_res = jax.random.normal(k4, (D_IN, D_OUT), dtype=jnp.float32) * 0.05
    b_res = jnp.zeros((D_OUT,), dtype=jnp.float32)
    return {"feat": feat, "edge_index": edge_index, "W_fc": W_fc, "b_fc": b_fc, "W_res": W_res, "b_res": b_res}


def reference(feat, edge_index, W_fc, b_fc, W_res, b_res):
    # SGConv: feat' = (D^{-1/2} A D^{-1/2})^k feat, then fc(feat'); plus residual Linear(feat).
    src = edge_index[0]
    dst = edge_index[1]
    # in-degree based symmetric norm (DGL SGConv uses in_degrees on both sides)
    deg = jax.ops.segment_sum(jnp.ones((src.shape[0],), dtype=feat.dtype), dst, num_segments=N)
    norm = jax.lax.rsqrt(jnp.clip(deg, 1.0, None))
    h = feat
    for _ in range(K):
        h = h * norm[:, None]
        h = jax.ops.segment_sum(jnp.take(h, src, axis=0), dst, num_segments=N)
        h = h * norm[:, None]
    out = h @ W_fc + b_fc + feat @ W_res + b_res
    return out

if __name__ == "__main__":
    import jax
    _d = setup_inputs()
    print(jax.jit(kernel)(*tuple(_d.values())))

</pallas_src>

<mosaic_0001>
#map = affine_map<(d0, d1) -> (0, 0, 0)>
#map1 = affine_map<(d0, d1) -> (0, 0)>
module attributes {stable_mosaic.version = 14 : i64} {
  func.func @_deg_kernel(%arg0: i32, %arg1: i32, %arg2: memref<2x16x10112xi32, #tpu.memory_space<hbm>>, %arg3: memref<32x10240xf32, #tpu.memory_space<hbm>>, %arg4: memref<10112xi32, #tpu.memory_space<vmem>>, %arg5: memref<10240xf32, #tpu.memory_space<vmem>>) attributes {dimension_semantics = [#tpu.dimension_semantics<core_parallel>, #tpu.dimension_semantics<subcore_parallel>], iteration_bounds = array<i64: 2, 16>, scalar_prefetch = 0 : i64, scratch_operands = 2 : i64, tpu.core_type = #tpu.core_type<sc_vector_subcore>, window_params = [{transform_indices = #map}, {transform_indices = #map1}]} {
    %mul3A = arith.constant 16 : i32
    %mul3A_0 = arith.muli %arg0, %mul3A : i32
    %add3A = arith.addi %mul3A_0, %arg1 : i32
    %scan3A = arith.constant 0 : i32
    %scan3A_1 = arith.constant 0 : i32
    %scan3A_2 = arith.constant 640 : i32
    %scan3A_3 = arith.addi %scan3A_1, %scan3A_2 : i32
    %scan3A_4 = arith.constant 1 : i32
    %scan3A_5 = scf.for %scan3A_15 = %scan3A_1 to %scan3A_3 step %scan3A_4 iter_args(%scan3A_16 = %scan3A) -> (i32)  : i32 {
      %broadcast_in_dim3A_17 = arith.constant 0.000000e+00 : f32
      %broadcast_in_dim3A_18 = vector.broadcast %broadcast_in_dim3A_17 : f32 to vector<16xf32>
      %mul3A_19 = arith.constant 16 : i32
      %mul3A_20 = arith.muli %scan3A_15, %mul3A_19 : i32
      %swap3A = arith.index_cast %mul3A_20 : i32 to index
      %swap3A_21 = tpu.vector_load %arg5[%swap3A] {strides = array<i32>} : memref<10240xf32, #tpu.memory_space<vmem>>, vector<16xf32>,
      tpu.vector_store %arg5[%swap3A], %broadcast_in_dim3A_18 {strides = array<i32>} : memref<10240xf32, #tpu.memory_space<vmem>>, vector<16xf32>,
      %scan3A_22 = arith.constant 0 : i32
      scf.yield %scan3A_22 : i32
    }
    %scan3A_6 = arith.constant 640 : i32
    "tpu.region"() ({
      %run_scoped3A = tpu.sem_alloc : memref<!tpu.dma_semaphore, #tpu.memory_space<semaphore_mem>>
      %dma_start3A = arith.constant 0 : i32
      %dma_start3A_15 = tpu.memref_slice %arg2[%arg0, %arg1, %dma_start3A] : memref<2x16x10112xi32, #tpu.memory_space<hbm>> -> memref<1x1x10112xi32, #tpu.memory_space<hbm>>
      %dma_start3A_16 = tpu.memref_squeeze %dma_start3A_15 : memref<1x1x10112xi32, #tpu.memory_space<hbm>> -> memref<10112xi32, #tpu.memory_space<hbm>>
      %dma_start3A_17 = arith.constant 0 : i32
      %dma_start3A_18 = tpu.memref_slice %arg2[%arg0, %arg1, %dma_start3A_17] : memref<2x16x10112xi32, #tpu.memory_space<hbm>> -> memref<1x1x10112xi32, #tpu.memory_space<hbm>>
      %dma_start3A_19 = tpu.memref_squeeze %dma_start3A_18 : memref<1x1x10112xi32, #tpu.memory_space<hbm>> -> memref<10112xi32, #tpu.memory_space<hbm>>
      tpu.enqueue_dma source(%dma_start3A_19 : memref<10112xi32, #tpu.memory_space<hbm>>) target(%arg4 : memref<10112xi32, #tpu.memory_space<vmem>>) target_semaphore(%run_scoped3A : memref<!tpu.dma_semaphore, #tpu.memory_space<semaphore_mem>>)
      %dma_wait3A = arith.constant 0 : i32
      %dma_wait3A_20 = tpu.memref_slice %arg2[%arg0, %arg1, %dma_wait3A] : memref<2x16x10112xi32, #tpu.memory_space<hbm>> -> memref<1x1x10112xi32, #tpu.memory_space<hbm>>
      %dma_wait3A_21 = tpu.memref_squeeze %dma_wait3A_20 : memref<1x1x10112xi32, #tpu.memory_space<hbm>> -> memref<10112xi32, #tpu.memory_space<hbm>>
      %dma_wait3A_22 = arith.constant 0 : i32
      %dma_wait3A_23 = tpu.memref_slice %arg2[%arg0, %arg1, %dma_wait3A_22] : memref<2x16x10112xi32, #tpu.memory_space<hbm>> -> memref<1x1x10112xi32, #tpu.memory_space<hbm>>
      %dma_wait3A_24 = tpu.memref_squeeze %dma_wait3A_23 : memref<1x1x10112xi32, #tpu.memory_space<hbm>> -> memref<10112xi32, #tpu.memory_space<hbm>>
      tpu.wait_dma2 semaphore(%run_scoped3A : memref<!tpu.dma_semaphore, #tpu.memory_space<semaphore_mem>>) src(%dma_wait3A_24 : memref<10112xi32, #tpu.memory_space<hbm>>) dst(%arg4 : memref<10112xi32, #tpu.memory_space<vmem>>)
      tpu.yield
    }) : () -> ()
    %broadcast_in_dim3A = arith.constant 1.000000e+00 : f32
    %broadcast_in_dim3A_7 = vector.broadcast %broadcast_in_dim3A : f32 to vector<16xf32>
    %scan3A_8 = arith.constant 0 : i32
    %scan3A_9 = arith.constant 0 : i32
    %scan3A_10 = arith.constant 632 : i32
    %scan3A_11 = arith.addi %scan3A_9, %scan3A_10 : i32
    %scan3A_12 = arith.constant 1 : i32
    %scan3A_13 = scf.for %scan3A_15 = %scan3A_9 to %scan3A_11 step %scan3A_12 iter_args(%scan3A_16 = %scan3A_8) -> (i32)  : i32 {
      %mul3A_17 = arith.constant 16 : i32
      %mul3A_18 = arith.muli %scan3A_15, %mul3A_17 : i32
      %get3A = arith.index_cast %mul3A_18 : i32 to index
      %get3A_19 = tpu.vector_load %arg4[%get3A] {strides = array<i32>} : memref<10112xi32, #tpu.memory_space<vmem>>, vector<16xi32>,
      tpu.vector_store_idx %arg5[%get3A_19], %broadcast_in_dim3A_7 {add = true} : memref<10240xf32, #tpu.memory_space<vmem>>[vector<16xi32>], vector<16xf32>,
      %scan3A_20 = arith.constant 0 : i32
      scf.yield %scan3A_20 : i32
    }
    %scan3A_14 = arith.constant 632 : i32
    "tpu.region"() ({
      %run_scoped3A = tpu.sem_alloc : memref<!tpu.dma_semaphore, #tpu.memory_space<semaphore_mem>>
      %dma_start3A = arith.constant 0 : i32
      %dma_start3A_15 = tpu.memref_slice %arg3[%add3A, %dma_start3A] : memref<32x10240xf32, #tpu.memory_space<hbm>> -> memref<1x10240xf32, #tpu.memory_space<hbm>>
      %dma_start3A_16 = tpu.memref_squeeze %dma_start3A_15 : memref<1x10240xf32, #tpu.memory_space<hbm>> -> memref<10240xf32, #tpu.memory_space<hbm>>
      %dma_start3A_17 = arith.constant 0 : i32
      %dma_start3A_18 = tpu.memref_slice %arg3[%add3A, %dma_start3A_17] : memref<32x10240xf32, #tpu.memory_space<hbm>> -> memref<1x10240xf32, #tpu.memory_space<hbm>>
      %dma_start3A_19 = tpu.memref_squeeze %dma_start3A_18 : memref<1x10240xf32, #tpu.memory_space<hbm>> -> memref<10240xf32, #tpu.memory_space<hbm>>
      tpu.enqueue_dma source(%arg5 : memref<10240xf32, #tpu.memory_space<vmem>>) target(%dma_start3A_19 : memref<10240xf32, #tpu.memory_space<hbm>>) target_semaphore(%run_scoped3A : memref<!tpu.dma_semaphore, #tpu.memory_space<semaphore_mem>>)
      %dma_wait3A = arith.constant 0 : i32
      %dma_wait3A_20 = tpu.memref_slice %arg3[%add3A, %dma_wait3A] : memref<32x10240xf32, #tpu.memory_space<hbm>> -> memref<1x10240xf32, #tpu.memory_space<hbm>>
      %dma_wait3A_21 = tpu.memref_squeeze %dma_wait3A_20 : memref<1x10240xf32, #tpu.memory_space<hbm>> -> memref<10240xf32, #tpu.memory_space<hbm>>
      %dma_wait3A_22 = arith.constant 0 : i32
      %dma_wait3A_23 = tpu.memref_slice %arg3[%add3A, %dma_wait3A_22] : memref<32x10240xf32, #tpu.memory_space<hbm>> -> memref<1x10240xf32, #tpu.memory_space<hbm>>
      %dma_wait3A_24 = tpu.memref_squeeze %dma_wait3A_23 : memref<1x10240xf32, #tpu.memory_space<hbm>> -> memref<10240xf32, #tpu.memory_space<hbm>>
      tpu.wait_dma2 semaphore(%run_scoped3A : memref<!tpu.dma_semaphore, #tpu.memory_space<semaphore_mem>>) src(%arg5 : memref<10240xf32, #tpu.memory_space<vmem>>) dst(%dma_wait3A_24 : memref<10240xf32, #tpu.memory_space<hbm>>)
      tpu.yield
    }) : () -> ()
    return
  }
}

#map = affine_map<(d0, d1) -> (0, 0)>
#map1 = affine_map<(d0, d1) -> (0, 0, 0, 0)>
#map2 = affine_map<(d0, d1) -> (0, 0, 0)>
module attributes {stable_mosaic.version = 14 : i64} {
  func.func @_hop_kernel(%arg0: i32, %arg1: i32, %arg2: memref<10240x128xf32, #tpu.memory_space<hbm>>, %arg3: memref<2x16x79x128xi32, #tpu.memory_space<hbm>>, %arg4: memref<2x16x79x128xi32, #tpu.memory_space<hbm>>, %arg5: memref<640x128xf32, #tpu.memory_space<hbm>>, %arg6: memref<2x10240x128xf32, #tpu.memory_space<hbm>>, %arg7: memref<10240x128xf32, #tpu.memory_space<vmem_shared>>, %arg8: memref<79x128xi32, #tpu.memory_space<vmem>>, %arg9: memref<79x128xi32, #tpu.memory_space<vmem>>, %arg10: memref<128x128xf32, #tpu.memory_space<vmem>>, %arg11: memref<!tpu.dma_semaphore, #tpu.memory_space<semaphore_mem>>) attributes {dimension_semantics = [#tpu.dimension_semantics<core_parallel>, #tpu.dimension_semantics<subcore_parallel>], iteration_bounds = array<i64: 2, 16>, scalar_prefetch = 0 : i64, scratch_operands = 5 : i64, tpu.core_type = #tpu.core_type<sc_vector_subcore>, window_params = [{transform_indices = #map}, {transform_indices = #map1}, {transform_indices = #map1}, {transform_indices = #map}, {transform_indices = #map2}]} {
    %mul3A = arith.constant 640 : i32
    %mul3A_0 = arith.muli %arg1, %mul3A : i32
    "tpu.region"() ({
      %run_scoped3A = tpu.sem_alloc : memref<!tpu.dma_semaphore, #tpu.memory_space<semaphore_mem>>
      %dma_start3A = arith.constant 0 : i32
      %dma_start3A_8 = tpu.memref_slice %arg7[%mul3A_0, %dma_start3A] : memref<10240x128xf32, #tpu.memory_space<vmem_shared>> -> memref<640x128xf32, #tpu.memory_space<vmem_shared>>
      tpu.enqueue_dma source(%arg5 : memref<640x128xf32, #tpu.memory_space<hbm>>) target(%dma_start3A_8 : memref<640x128xf32, #tpu.memory_space<vmem_shared>>) target_semaphore(%run_scoped3A : memref<!tpu.dma_semaphore, #tpu.memory_space<semaphore_mem>>)
      %dma_wait3A = arith.constant 0 : i32
      %dma_wait3A_9 = tpu.memref_slice %arg7[%mul3A_0, %dma_wait3A] : memref<10240x128xf32, #tpu.memory_space<vmem_shared>> -> memref<640x128xf32, #tpu.memory_space<vmem_shared>>
      tpu.wait_dma2 semaphore(%run_scoped3A : memref<!tpu.dma_semaphore, #tpu.memory_space<semaphore_mem>>) src(%arg5 : memref<640x128xf32, #tpu.memory_space<hbm>>) dst(%dma_wait3A_9 : memref<640x128xf32, #tpu.memory_space<vmem_shared>>)
      tpu.yield
    }) : () -> ()
    "tpu.region"() ({
      %run_scoped3A = tpu.sem_alloc : memref<!tpu.dma_semaphore, #tpu.memory_space<semaphore_mem>>
      %dma_start3A = arith.constant 0 : i32
      %dma_start3A_8 = arith.constant 0 : i32
      %dma_start3A_9 = tpu.memref_slice %arg3[%arg0, %arg1, %dma_start3A, %dma_start3A_8] : memref<2x16x79x128xi32, #tpu.memory_space<hbm>> -> memref<1x1x79x128xi32, #tpu.memory_space<hbm>>
      %dma_start3A_10 = tpu.memref_squeeze %dma_start3A_9 : memref<1x1x79x128xi32, #tpu.memory_space<hbm>> -> memref<79x128xi32, #tpu.memory_space<hbm>>
      %dma_start3A_11 = arith.constant 0 : i32
      %dma_start3A_12 = arith.constant 0 : i32
      %dma_start3A_13 = tpu.memref_slice %arg3[%arg0, %arg1, %dma_start3A_11, %dma_start3A_12] : memref<2x16x79x128xi32, #tpu.memory_space<hbm>> -> memref<1x1x79x128xi32, #tpu.memory_space<hbm>>
      %dma_start3A_14 = tpu.memref_squeeze %dma_start3A_13 : memref<1x1x79x128xi32, #tpu.memory_space<hbm>> -> memref<79x128xi32, #tpu.memory_space<hbm>>
      tpu.enqueue_dma source(%dma_start3A_14 : memref<79x128xi32, #tpu.memory_space<hbm>>) target(%arg8 : memref<79x128xi32, #tpu.memory_space<vmem>>) target_semaphore(%run_scoped3A : memref<!tpu.dma_semaphore, #tpu.memory_space<semaphore_mem>>)
      %dma_wait3A = arith.constant 0 : i32
      %dma_wait3A_15 = arith.constant 0 : i32
      %dma_wait3A_16 = tpu.memref_slice %arg3[%arg0, %arg1, %dma_wait3A, %dma_wait3A_15] : memref<2x16x79x128xi32, #tpu.memory_space<hbm>> -> memref<1x1x79x128xi32, #tpu.memory_space<hbm>>
      %dma_wait3A_17 = tpu.memref_squeeze %dma_wait3A_16 : memref<1x1x79x128xi32, #tpu.memory_space<hbm>> -> memref<79x128xi32, #tpu.memory_space<hbm>>
      %dma_wait3A_18 = arith.constant 0 : i32
      %dma_wait3A_19 = arith.constant 0 : i32
      %dma_wait3A_20 = tpu.memref_slice %arg3[%arg0, %arg1, %dma_wait3A_18, %dma_wait3A_19] : memref<2x16x79x128xi32, #tpu.memory_space<hbm>> -> memref<1x1x79x128xi32, #tpu.memory_space<hbm>>
      %dma_wait3A_21 = tpu.memref_squeeze %dma_wait3A_20 : memref<1x1x79x128xi32, #tpu.memory_space<hbm>> -> memref<79x128xi32, #tpu.memory_space<hbm>>
      tpu.wait_dma2 semaphore(%run_scoped3A : memref<!tpu.dma_semaphore, #tpu.memory_space<semaphore_mem>>) src(%dma_wait3A_21 : memref<79x128xi32, #tpu.memory_space<hbm>>) dst(%arg8 : memref<79x128xi32, #tpu.memory_space<vmem>>)
      tpu.yield
    }) : () -> ()
    "tpu.region"() ({
      %run_scoped3A = tpu.sem_alloc : memref<!tpu.dma_semaphore, #tpu.memory_space<semaphore_mem>>
      %dma_start3A = arith.constant 0 : i32
      %dma_start3A_8 = arith.constant 0 : i32
      %dma_start3A_9 = tpu.memref_slice %arg4[%arg0, %arg1, %dma_start3A, %dma_start3A_8] : memref<2x16x79x128xi32, #tpu.memory_space<hbm>> -> memref<1x1x79x128xi32, #tpu.memory_space<hbm>>
      %dma_start3A_10 = tpu.memref_squeeze %dma_start3A_9 : memref<1x1x79x128xi32, #tpu.memory_space<hbm>> -> memref<79x128xi32, #tpu.memory_space<hbm>>
      %dma_start3A_11 = arith.constant 0 : i32
      %dma_start3A_12 = arith.constant 0 : i32
      %dma_start3A_13 = tpu.memref_slice %arg4[%arg0, %arg1, %dma_start3A_11, %dma_start3A_12] : memref<2x16x79x128xi32, #tpu.memory_space<hbm>> -> memref<1x1x79x128xi32, #tpu.memory_space<hbm>>
      %dma_start3A_14 = tpu.memref_squeeze %dma_start3A_13 : memref<1x1x79x128xi32, #tpu.memory_space<hbm>> -> memref<79x128xi32, #tpu.memory_space<hbm>>
      tpu.enqueue_dma source(%dma_start3A_14 : memref<79x128xi32, #tpu.memory_space<hbm>>) target(%arg9 : memref<79x128xi32, #tpu.memory_space<vmem>>) target_semaphore(%run_scoped3A : memref<!tpu.dma_semaphore, #tpu.memory_space<semaphore_mem>>)
      %dma_wait3A = arith.constant 0 : i32
      %dma_wait3A_15 = arith.constant 0 : i32
      %dma_wait3A_16 = tpu.memref_slice %arg4[%arg0, %arg1, %dma_wait3A, %dma_wait3A_15] : memref<2x16x79x128xi32, #tpu.memory_space<hbm>> -> memref<1x1x79x128xi32, #tpu.memory_space<hbm>>
      %dma_wait3A_17 = tpu.memref_squeeze %dma_wait3A_16 : memref<1x1x79x128xi32, #tpu.memory_space<hbm>> -> memref<79x128xi32, #tpu.memory_space<hbm>>
      %dma_wait3A_18 = arith.constant 0 : i32
      %dma_wait3A_19 = arith.constant 0 : i32
      %dma_wait3A_20 = tpu.memref_slice %arg4[%arg0, %arg1, %dma_wait3A_18, %dma_wait3A_19] : memref<2x16x79x128xi32, #tpu.memory_space<hbm>> -> memref<1x1x79x128xi32, #tpu.memory_space<hbm>>
      %dma_wait3A_21 = tpu.memref_squeeze %dma_wait3A_20 : memref<1x1x79x128xi32, #tpu.memory_space<hbm>> -> memref<79x128xi32, #tpu.memory_space<hbm>>
      tpu.wait_dma2 semaphore(%run_scoped3A : memref<!tpu.dma_semaphore, #tpu.memory_space<semaphore_mem>>) src(%dma_wait3A_21 : memref<79x128xi32, #tpu.memory_space<hbm>>) dst(%arg9 : memref<79x128xi32, #tpu.memory_space<vmem>>)
      tpu.yield
    }) : () -> ()
    %barrier3A = arith.constant 0 : index
    tpu.barrier barrier_id(%barrier3A)
    %scan3A = arith.constant 0 : i32
    %scan3A_1 = arith.constant 0 : i32
    %scan3A_2 = arith.constant 79 : i32
    %scan3A_3 = arith.addi %scan3A_1, %scan3A_2 : i32
    %scan3A_4 = arith.constant 1 : i32
    %scan3A_5 = scf.for %scan3A_8 = %scan3A_1 to %scan3A_3 step %scan3A_4 iter_args(%scan3A_9 = %scan3A) -> (i32)  : i32 {
      %dma_start3A = arith.constant 0 : i32
      %dma_start3A_10 = tpu.memref_slice %arg8[%scan3A_8, %dma_start3A] : memref<79x128xi32, #tpu.memory_space<vmem>> -> memref<1x128xi32, #tpu.memory_space<vmem>>
      %dma_start3A_11 = tpu.memref_squeeze %dma_start3A_10 : memref<1x128xi32, #tpu.memory_space<vmem>> -> memref<128xi32, #tpu.memory_space<vmem>>
      %dma_start3A_12 = arith.constant 0 : i32
      %dma_start3A_13 = arith.constant 0 : i32
      %dma_start3A_14 = tpu.memref_slice %arg2[%dma_start3A_12, %dma_start3A_13] : memref<10240x128xf32, #tpu.memory_space<hbm>> -> memref<10240x128xf32, #tpu.memory_space<hbm>>
      tpu.enqueue_indirect_dma source(%dma_start3A_14 : memref<10240x128xf32, #tpu.memory_space<hbm>>) target(%arg10 : memref<128x128xf32, #tpu.memory_space<vmem>>) offsets(%dma_start3A_11 : memref<128xi32, #tpu.memory_space<vmem>>) semaphore(%arg11 : memref<!tpu.dma_semaphore, #tpu.memory_space<semaphore_mem>>)
      %dma_wait3A = arith.constant 0 : i32
      %dma_wait3A_15 = tpu.memref_slice %arg8[%scan3A_8, %dma_wait3A] : memref<79x128xi32, #tpu.memory_space<vmem>> -> memref<1x128xi32, #tpu.memory_space<vmem>>
      %dma_wait3A_16 = tpu.memref_squeeze %dma_wait3A_15 : memref<1x128xi32, #tpu.memory_space<vmem>> -> memref<128xi32, #tpu.memory_space<vmem>>
      %dma_wait3A_17 = arith.constant 0 : i32
      %dma_wait3A_18 = arith.constant 0 : i32
      %dma_wait3A_19 = tpu.memref_slice %arg2[%dma_wait3A_17, %dma_wait3A_18] : memref<10240x128xf32, #tpu.memory_space<hbm>> -> memref<10240x128xf32, #tpu.memory_space<hbm>>
      tpu.wait_indirect_dma semaphore(%arg11 : memref<!tpu.dma_semaphore, #tpu.memory_space<semaphore_mem>>) src(%dma_wait3A_19 : memref<10240x128xf32, #tpu.memory_space<hbm>>) dst(%arg10 : memref<128x128xf32, #tpu.memory_space<vmem>>)
      "tpu.region"() ({
        %run_scoped3A = tpu.sem_alloc : memref<!tpu.dma_semaphore, #tpu.memory_space<semaphore_mem>>
        %dma_start3A_21 = arith.constant 0 : i32
        %dma_start3A_22 = tpu.memref_slice %arg9[%scan3A_8, %dma_start3A_21] : memref<79x128xi32, #tpu.memory_space<vmem>> -> memref<1x128xi32, #tpu.memory_space<vmem>>
        %dma_start3A_23 = tpu.memref_squeeze %dma_start3A_22 : memref<1x128xi32, #tpu.memory_space<vmem>> -> memref<128xi32, #tpu.memory_space<vmem>>
        %dma_start3A_24 = arith.constant 0 : i32
        %dma_start3A_25 = arith.constant 0 : i32
        %dma_start3A_26 = tpu.memref_slice %arg7[%dma_start3A_24, %dma_start3A_25] : memref<10240x128xf32, #tpu.memory_space<vmem_shared>> -> memref<10240x128xf32, #tpu.memory_space<vmem_shared>>
        tpu.enqueue_indirect_dma source(%arg10 : memref<128x128xf32, #tpu.memory_space<vmem>>) target(%dma_start3A_26 : memref<10240x128xf32, #tpu.memory_space<vmem_shared>>) offsets(%dma_start3A_23 : memref<128xi32, #tpu.memory_space<vmem>>) semaphore(%run_scoped3A : memref<!tpu.dma_semaphore, #tpu.memory_space<semaphore_mem>>) {add = true}
        %dma_wait3A_27 = arith.constant 0 : i32
        %dma_wait3A_28 = tpu.memref_slice %arg9[%scan3A_8, %dma_wait3A_27] : memref<79x128xi32, #tpu.memory_space<vmem>> -> memref<1x128xi32, #tpu.memory_space<vmem>>
        %dma_wait3A_29 = tpu.memref_squeeze %dma_wait3A_28 : memref<1x128xi32, #tpu.memory_space<vmem>> -> memref<128xi32, #tpu.memory_space<vmem>>
        %dma_wait3A_30 = arith.constant 0 : i32
        %dma_wait3A_31 = arith.constant 0 : i32
        %dma_wait3A_32 = tpu.memref_slice %arg7[%dma_wait3A_30, %dma_wait3A_31] : memref<10240x128xf32, #tpu.memory_space<vmem_shared>> -> memref<10240x128xf32, #tpu.memory_space<vmem_shared>>
        tpu.wait_indirect_dma semaphore(%run_scoped3A : memref<!tpu.dma_semaphore, #tpu.memory_space<semaphore_mem>>) src(%arg10 : memref<128x128xf32, #tpu.memory_space<vmem>>) dst(%dma_wait3A_32 : memref<10240x128xf32, #tpu.memory_space<vmem_shared>>)
        tpu.yield
      }) : () -> ()
      %scan3A_20 = arith.constant 0 : i32
      scf.yield %scan3A_20 : i32
    }
    %scan3A_6 = arith.constant 79 : i32
    %barrier3A_7 = arith.constant 0 : index
    tpu.barrier barrier_id(%barrier3A_7)
    "tpu.region"() ({
      %run_scoped3A = tpu.sem_alloc : memref<!tpu.dma_semaphore, #tpu.memory_space<semaphore_mem>>
      %dma_start3A = arith.constant 0 : i32
      %dma_start3A_8 = tpu.memref_slice %arg6[%arg0, %mul3A_0, %dma_start3A] : memref<2x10240x128xf32, #tpu.memory_space<hbm>> -> memref<1x640x128xf32, #tpu.memory_space<hbm>>
      %dma_start3A_9 = tpu.memref_squeeze %dma_start3A_8 : memref<1x640x128xf32, #tpu.memory_space<hbm>> -> memref<640x128xf32, #tpu.memory_space<hbm>>
      %dma_start3A_10 = arith.constant 0 : i32
      %dma_start3A_11 = tpu.memref_slice %arg7[%mul3A_0, %dma_start3A_10] : memref<10240x128xf32, #tpu.memory_space<vmem_shared>> -> memref<640x128xf32, #tpu.memory_space<vmem_shared>>
      tpu.enqueue_dma source(%dma_start3A_11 : memref<640x128xf32, #tpu.memory_space<vmem_shared>>) target(%dma_start3A_9 : memref<640x128xf32, #tpu.memory_space<hbm>>) target_semaphore(%run_scoped3A : memref<!tpu.dma_semaphore, #tpu.memory_space<semaphore_mem>>)
      %dma_wait3A = arith.constant 0 : i32
      %dma_wait3A_12 = tpu.memref_slice %arg6[%arg0, %mul3A_0, %dma_wait3A] : memref<2x10240x128xf32, #tpu.memory_space<hbm>> -> memref<1x640x128xf32, #tpu.memory_space<hbm>>
      %dma_wait3A_13 = tpu.memref_squeeze %dma_wait3A_12 : memref<1x640x128xf32, #tpu.memory_space<hbm>> -> memref<640x128xf32, #tpu.memory_space<hbm>>
      %dma_wait3A_14 = arith.constant 0 : i32
      %dma_wait3A_15 = tpu.memref_slice %arg7[%mul3A_0, %dma_wait3A_14] : memref<10240x128xf32, #tpu.memory_space<vmem_shared>> -> memref<640x128xf32, #tpu.memory_space<vmem_shared>>
      tpu.wait_dma2 semaphore(%run_scoped3A : memref<!tpu.dma_semaphore, #tpu.memory_space<semaphore_mem>>) src(%dma_wait3A_15 : memref<640x128xf32, #tpu.memory_space<vmem_shared>>) dst(%dma_wait3A_13 : memref<640x128xf32, #tpu.memory_space<hbm>>)
      tpu.yield
    }) : () -> ()
    return
  }
}

#map = affine_map<(d0, d1) -> (0, 0)>
#map1 = affine_map<(d0, d1) -> (0, 0, 0, 0)>
#map2 = affine_map<(d0, d1) -> (0, 0, 0)>
module attributes {stable_mosaic.version = 14 : i64} {
  func.func @_hop_kernel(%arg0: i32, %arg1: i32, %arg2: memref<10240x128xf32, #tpu.memory_space<hbm>>, %arg3: memref<2x16x79x128xi32, #tpu.memory_space<hbm>>, %arg4: memref<2x16x79x128xi32, #tpu.memory_space<hbm>>, %arg5: memref<640x128xf32, #tpu.memory_space<hbm>>, %arg6: memref<2x10240x128xf32, #tpu.memory_space<hbm>>, %arg7: memref<10240x128xf32, #tpu.memory_space<vmem_shared>>, %arg8: memref<79x128xi32, #tpu.memory_space<vmem>>, %arg9: memref<79x128xi32, #tpu.memory_space<vmem>>, %arg10: memref<128x128xf32, #tpu.memory_space<vmem>>, %arg11: memref<!tpu.dma_semaphore, #tpu.memory_space<semaphore_mem>>) attributes {dimension_semantics = [#tpu.dimension_semantics<core_parallel>, #tpu.dimension_semantics<subcore_parallel>], iteration_bounds = array<i64: 2, 16>, scalar_prefetch = 0 : i64, scratch_operands = 5 : i64, tpu.core_type = #tpu.core_type<sc_vector_subcore>, window_params = [{transform_indices = #map}, {transform_indices = #map1}, {transform_indices = #map1}, {transform_indices = #map}, {transform_indices = #map2}]} {
    %mul3A = arith.constant 640 : i32
    %mul3A_0 = arith.muli %arg1, %mul3A : i32
    "tpu.region"() ({
      %run_scoped3A = tpu.sem_alloc : memref<!tpu.dma_semaphore, #tpu.memory_space<semaphore_mem>>
      %dma_start3A = arith.constant 0 : i32
      %dma_start3A_8 = tpu.memref_slice %arg7[%mul3A_0, %dma_start3A] : memref<10240x128xf32, #tpu.memory_space<vmem_shared>> -> memref<640x128xf32, #tpu.memory_space<vmem_shared>>
      tpu.enqueue_dma source(%arg5 : memref<640x128xf32, #tpu.memory_space<hbm>>) target(%dma_start3A_8 : memref<640x128xf32, #tpu.memory_space<vmem_shared>>) target_semaphore(%run_scoped3A : memref<!tpu.dma_semaphore, #tpu.memory_space<semaphore_mem>>)
      %dma_wait3A = arith.constant 0 : i32
      %dma_wait3A_9 = tpu.memref_slice %arg7[%mul3A_0, %dma_wait3A] : memref<10240x128xf32, #tpu.memory_space<vmem_shared>> -> memref<640x128xf32, #tpu.memory_space<vmem_shared>>
      tpu.wait_dma2 semaphore(%run_scoped3A : memref<!tpu.dma_semaphore, #tpu.memory_space<semaphore_mem>>) src(%arg5 : memref<640x128xf32, #tpu.memory_space<hbm>>) dst(%dma_wait3A_9 : memref<640x128xf32, #tpu.memory_space<vmem_shared>>)
      tpu.yield
    }) : () -> ()
    "tpu.region"() ({
      %run_scoped3A = tpu.sem_alloc : memref<!tpu.dma_semaphore, #tpu.memory_space<semaphore_mem>>
      %dma_start3A = arith.constant 0 : i32
      %dma_start3A_8 = arith.constant 0 : i32
      %dma_start3A_9 = tpu.memref_slice %arg3[%arg0, %arg1, %dma_start3A, %dma_start3A_8] : memref<2x16x79x128xi32, #tpu.memory_space<hbm>> -> memref<1x1x79x128xi32, #tpu.memory_space<hbm>>
      %dma_start3A_10 = tpu.memref_squeeze %dma_start3A_9 : memref<1x1x79x128xi32, #tpu.memory_space<hbm>> -> memref<79x128xi32, #tpu.memory_space<hbm>>
      %dma_start3A_11 = arith.constant 0 : i32
      %dma_start3A_12 = arith.constant 0 : i32
      %dma_start3A_13 = tpu.memref_slice %arg3[%arg0, %arg1, %dma_start3A_11, %dma_start3A_12] : memref<2x16x79x128xi32, #tpu.memory_space<hbm>> -> memref<1x1x79x128xi32, #tpu.memory_space<hbm>>
      %dma_start3A_14 = tpu.memref_squeeze %dma_start3A_13 : memref<1x1x79x128xi32, #tpu.memory_space<hbm>> -> memref<79x128xi32, #tpu.memory_space<hbm>>
      tpu.enqueue_dma source(%dma_start3A_14 : memref<79x128xi32, #tpu.memory_space<hbm>>) target(%arg8 : memref<79x128xi32, #tpu.memory_space<vmem>>) target_semaphore(%run_scoped3A : memref<!tpu.dma_semaphore, #tpu.memory_space<semaphore_mem>>)
      %dma_wait3A = arith.constant 0 : i32
      %dma_wait3A_15 = arith.constant 0 : i32
      %dma_wait3A_16 = tpu.memref_slice %arg3[%arg0, %arg1, %dma_wait3A, %dma_wait3A_15] : memref<2x16x79x128xi32, #tpu.memory_space<hbm>> -> memref<1x1x79x128xi32, #tpu.memory_space<hbm>>
      %dma_wait3A_17 = tpu.memref_squeeze %dma_wait3A_16 : memref<1x1x79x128xi32, #tpu.memory_space<hbm>> -> memref<79x128xi32, #tpu.memory_space<hbm>>
      %dma_wait3A_18 = arith.constant 0 : i32
      %dma_wait3A_19 = arith.constant 0 : i32
      %dma_wait3A_20 = tpu.memref_slice %arg3[%arg0, %arg1, %dma_wait3A_18, %dma_wait3A_19] : memref<2x16x79x128xi32, #tpu.memory_space<hbm>> -> memref<1x1x79x128xi32, #tpu.memory_space<hbm>>
      %dma_wait3A_21 = tpu.memref_squeeze %dma_wait3A_20 : memref<1x1x79x128xi32, #tpu.memory_space<hbm>> -> memref<79x128xi32, #tpu.memory_space<hbm>>
      tpu.wait_dma2 semaphore(%run_scoped3A : memref<!tpu.dma_semaphore, #tpu.memory_space<semaphore_mem>>) src(%dma_wait3A_21 : memref<79x128xi32, #tpu.memory_space<hbm>>) dst(%arg8 : memref<79x128xi32, #tpu.memory_space<vmem>>)
      tpu.yield
    }) : () -> ()
    "tpu.region"() ({
      %run_scoped3A = tpu.sem_alloc : memref<!tpu.dma_semaphore, #tpu.memory_space<semaphore_mem>>
      %dma_start3A = arith.constant 0 : i32
      %dma_start3A_8 = arith.constant 0 : i32
      %dma_start3A_9 = tpu.memref_slice %arg4[%arg0, %arg1, %dma_start3A, %dma_start3A_8] : memref<2x16x79x128xi32, #tpu.memory_space<hbm>> -> memref<1x1x79x128xi32, #tpu.memory_space<hbm>>
      %dma_start3A_10 = tpu.memref_squeeze %dma_start3A_9 : memref<1x1x79x128xi32, #tpu.memory_space<hbm>> -> memref<79x128xi32, #tpu.memory_space<hbm>>
      %dma_start3A_11 = arith.constant 0 : i32
      %dma_start3A_12 = arith.constant 0 : i32
      %dma_start3A_13 = tpu.memref_slice %arg4[%arg0, %arg1, %dma_start3A_11, %dma_start3A_12] : memref<2x16x79x128xi32, #tpu.memory_space<hbm>> -> memref<1x1x79x128xi32, #tpu.memory_space<hbm>>
      %dma_start3A_14 = tpu.memref_squeeze %dma_start3A_13 : memref<1x1x79x128xi32, #tpu.memory_space<hbm>> -> memref<79x128xi32, #tpu.memory_space<hbm>>
      tpu.enqueue_dma source(%dma_start3A_14 : memref<79x128xi32, #tpu.memory_space<hbm>>) target(%arg9 : memref<79x128xi32, #tpu.memory_space<vmem>>) target_semaphore(%run_scoped3A : memref<!tpu.dma_semaphore, #tpu.memory_space<semaphore_mem>>)
      %dma_wait3A = arith.constant 0 : i32
      %dma_wait3A_15 = arith.constant 0 : i32
      %dma_wait3A_16 = tpu.memref_slice %arg4[%arg0, %arg1, %dma_wait3A, %dma_wait3A_15] : memref<2x16x79x128xi32, #tpu.memory_space<hbm>> -> memref<1x1x79x128xi32, #tpu.memory_space<hbm>>
      %dma_wait3A_17 = tpu.memref_squeeze %dma_wait3A_16 : memref<1x1x79x128xi32, #tpu.memory_space<hbm>> -> memref<79x128xi32, #tpu.memory_space<hbm>>
      %dma_wait3A_18 = arith.constant 0 : i32
      %dma_wait3A_19 = arith.constant 0 : i32
      %dma_wait3A_20 = tpu.memref_slice %arg4[%arg0, %arg1, %dma_wait3A_18, %dma_wait3A_19] : memref<2x16x79x128xi32, #tpu.memory_space<hbm>> -> memref<1x1x79x128xi32, #tpu.memory_space<hbm>>
      %dma_wait3A_21 = tpu.memref_squeeze %dma_wait3A_20 : memref<1x1x79x128xi32, #tpu.memory_space<hbm>> -> memref<79x128xi32, #tpu.memory_space<hbm>>
      tpu.wait_dma2 semaphore(%run_scoped3A : memref<!tpu.dma_semaphore, #tpu.memory_space<semaphore_mem>>) src(%dma_wait3A_21 : memref<79x128xi32, #tpu.memory_space<hbm>>) dst(%arg9 : memref<79x128xi32, #tpu.memory_space<vmem>>)
      tpu.yield
    }) : () -> ()
    %barrier3A = arith.constant 0 : index
    tpu.barrier barrier_id(%barrier3A)
    %scan3A = arith.constant 0 : i32
    %scan3A_1 = arith.constant 0 : i32
    %scan3A_2 = arith.constant 79 : i32
    %scan3A_3 = arith.addi %scan3A_1, %scan3A_2 : i32
    %scan3A_4 = arith.constant 1 : i32
    %scan3A_5 = scf.for %scan3A_8 = %scan3A_1 to %scan3A_3 step %scan3A_4 iter_args(%scan3A_9 = %scan3A) -> (i32)  : i32 {
      %dma_start3A = arith.constant 0 : i32
      %dma_start3A_10 = tpu.memref_slice %arg8[%scan3A_8, %dma_start3A] : memref<79x128xi32, #tpu.memory_space<vmem>> -> memref<1x128xi32, #tpu.memory_space<vmem>>
      %dma_start3A_11 = tpu.memref_squeeze %dma_start3A_10 : memref<1x128xi32, #tpu.memory_space<vmem>> -> memref<128xi32, #tpu.memory_space<vmem>>
      %dma_start3A_12 = arith.constant 0 : i32
      %dma_start3A_13 = arith.constant 0 : i32
      %dma_start3A_14 = tpu.memref_slice %arg2[%dma_start3A_12, %dma_start3A_13] : memref<10240x128xf32, #tpu.memory_space<hbm>> -> memref<10240x128xf32, #tpu.memory_space<hbm>>
      tpu.enqueue_indirect_dma source(%dma_start3A_14 : memref<10240x128xf32, #tpu.memory_space<hbm>>) target(%arg10 : memref<128x128xf32, #tpu.memory_space<vmem>>) offsets(%dma_start3A_11 : memref<128xi32, #tpu.memory_space<vmem>>) semaphore(%arg11 : memref<!tpu.dma_semaphore, #tpu.memory_space<semaphore_mem>>)
      %dma_wait3A = arith.constant 0 : i32
      %dma_wait3A_15 = tpu.memref_slice %arg8[%scan3A_8, %dma_wait3A] : memref<79x128xi32, #tpu.memory_space<vmem>> -> memref<1x128xi32, #tpu.memory_space<vmem>>
      %dma_wait3A_16 = tpu.memref_squeeze %dma_wait3A_15 : memref<1x128xi32, #tpu.memory_space<vmem>> -> memref<128xi32, #tpu.memory_space<vmem>>
      %dma_wait3A_17 = arith.constant 0 : i32
      %dma_wait3A_18 = arith.constant 0 : i32
      %dma_wait3A_19 = tpu.memref_slice %arg2[%dma_wait3A_17, %dma_wait3A_18] : memref<10240x128xf32, #tpu.memory_space<hbm>> -> memref<10240x128xf32, #tpu.memory_space<hbm>>
      tpu.wait_indirect_dma semaphore(%arg11 : memref<!tpu.dma_semaphore, #tpu.memory_space<semaphore_mem>>) src(%dma_wait3A_19 : memref<10240x128xf32, #tpu.memory_space<hbm>>) dst(%arg10 : memref<128x128xf32, #tpu.memory_space<vmem>>)
      "tpu.region"() ({
        %run_scoped3A = tpu.sem_alloc : memref<!tpu.dma_semaphore, #tpu.memory_space<semaphore_mem>>
        %dma_start3A_21 = arith.constant 0 : i32
        %dma_start3A_22 = tpu.memref_slice %arg9[%scan3A_8, %dma_start3A_21] : memref<79x128xi32, #tpu.memory_space<vmem>> -> memref<1x128xi32, #tpu.memory_space<vmem>>
        %dma_start3A_23 = tpu.memref_squeeze %dma_start3A_22 : memref<1x128xi32, #tpu.memory_space<vmem>> -> memref<128xi32, #tpu.memory_space<vmem>>
        %dma_start3A_24 = arith.constant 0 : i32
        %dma_start3A_25 = arith.constant 0 : i32
        %dma_start3A_26 = tpu.memref_slice %arg7[%dma_start3A_24, %dma_start3A_25] : memref<10240x128xf32, #tpu.memory_space<vmem_shared>> -> memref<10240x128xf32, #tpu.memory_space<vmem_shared>>
        tpu.enqueue_indirect_dma source(%arg10 : memref<128x128xf32, #tpu.memory_space<vmem>>) target(%dma_start3A_26 : memref<10240x128xf32, #tpu.memory_space<vmem_shared>>) offsets(%dma_start3A_23 : memref<128xi32, #tpu.memory_space<vmem>>) semaphore(%run_scoped3A : memref<!tpu.dma_semaphore, #tpu.memory_space<semaphore_mem>>) {add = true}
        %dma_wait3A_27 = arith.constant 0 : i32
        %dma_wait3A_28 = tpu.memref_slice %arg9[%scan3A_8, %dma_wait3A_27] : memref<79x128xi32, #tpu.memory_space<vmem>> -> memref<1x128xi32, #tpu.memory_space<vmem>>
        %dma_wait3A_29 = tpu.memref_squeeze %dma_wait3A_28 : memref<1x128xi32, #tpu.memory_space<vmem>> -> memref<128xi32, #tpu.memory_space<vmem>>
        %dma_wait3A_30 = arith.constant 0 : i32
        %dma_wait3A_31 = arith.constant 0 : i32
        %dma_wait3A_32 = tpu.memref_slice %arg7[%dma_wait3A_30, %dma_wait3A_31] : memref<10240x128xf32, #tpu.memory_space<vmem_shared>> -> memref<10240x128xf32, #tpu.memory_space<vmem_shared>>
        tpu.wait_indirect_dma semaphore(%run_scoped3A : memref<!tpu.dma_semaphore, #tpu.memory_space<semaphore_mem>>) src(%arg10 : memref<128x128xf32, #tpu.memory_space<vmem>>) dst(%dma_wait3A_32 : memref<10240x128xf32, #tpu.memory_space<vmem_shared>>)
        tpu.yield
      }) : () -> ()
      %scan3A_20 = arith.constant 0 : i32
      scf.yield %scan3A_20 : i32
    }
    %scan3A_6 = arith.constant 79 : i32
    %barrier3A_7 = arith.constant 0 : index
    tpu.barrier barrier_id(%barrier3A_7)
    "tpu.region"() ({
      %run_scoped3A = tpu.sem_alloc : memref<!tpu.dma_semaphore, #tpu.memory_space<semaphore_mem>>
      %dma_start3A = arith.constant 0 : i32
      %dma_start3A_8 = tpu.memref_slice %arg6[%arg0, %mul3A_0, %dma_start3A] : memref<2x10240x128xf32, #tpu.memory_space<hbm>> -> memref<1x640x128xf32, #tpu.memory_space<hbm>>
      %dma_start3A_9 = tpu.memref_squeeze %dma_start3A_8 : memref<1x640x128xf32, #tpu.memory_space<hbm>> -> memref<640x128xf32, #tpu.memory_space<hbm>>
      %dma_start3A_10 = arith.constant 0 : i32
      %dma_start3A_11 = tpu.memref_slice %arg7[%mul3A_0, %dma_start3A_10] : memref<10240x128xf32, #tpu.memory_space<vmem_shared>> -> memref<640x128xf32, #tpu.memory_space<vmem_shared>>
      tpu.enqueue_dma source(%dma_start3A_11 : memref<640x128xf32, #tpu.memory_space<vmem_shared>>) target(%dma_start3A_9 : memref<640x128xf32, #tpu.memory_space<hbm>>) target_semaphore(%run_scoped3A : memref<!tpu.dma_semaphore, #tpu.memory_space<semaphore_mem>>)
      %dma_wait3A = arith.constant 0 : i32
      %dma_wait3A_12 = tpu.memref_slice %arg6[%arg0, %mul3A_0, %dma_wait3A] : memref<2x10240x128xf32, #tpu.memory_space<hbm>> -> memref<1x640x128xf32, #tpu.memory_space<hbm>>
      %dma_wait3A_13 = tpu.memref_squeeze %dma_wait3A_12 : memref<1x640x128xf32, #tpu.memory_space<hbm>> -> memref<640x128xf32, #tpu.memory_space<hbm>>
      %dma_wait3A_14 = arith.constant 0 : i32
      %dma_wait3A_15 = tpu.memref_slice %arg7[%mul3A_0, %dma_wait3A_14] : memref<10240x128xf32, #tpu.memory_space<vmem_shared>> -> memref<640x128xf32, #tpu.memory_space<vmem_shared>>
      tpu.wait_dma2 semaphore(%run_scoped3A : memref<!tpu.dma_semaphore, #tpu.memory_space<semaphore_mem>>) src(%dma_wait3A_15 : memref<640x128xf32, #tpu.memory_space<vmem_shared>>) dst(%dma_wait3A_13 : memref<640x128xf32, #tpu.memory_space<hbm>>)
      tpu.yield
    }) : () -> ()
    return
  }
}

module attributes {stable_mosaic.version = 14 : i64} {
  func.func @_norm_x0_body(%arg0: i32, %arg1: memref<32x512xf32, #tpu.memory_space<vmem>>, %arg2: memref<512x128xf32, #tpu.memory_space<vmem>>, %arg3: memref<512x128xf32, #tpu.memory_space<vmem>>, %arg4: memref<512xf32, #tpu.memory_space<vmem>>, %arg5: memref<512xf32, #tpu.memory_space<vmem>>) attributes {dimension_semantics = [#tpu.dimension_semantics<arbitrary>], iteration_bounds = array<i64: 20>, scalar_prefetch = 0 : i64, scratch_operands = 0 : i64, tpu.core_type = #tpu.core_type<tc>, window_params = [{transform_indices = @transform_0, window_bounds = array<i64: 32, 512>}, {transform_indices = @transform_1, window_bounds = array<i64: 512, 128>}, {transform_indices = @transform_2, window_bounds = array<i64: 512, 128>}, {transform_indices = @transform_3, window_bounds = array<i64: 512>}, {transform_indices = @transform_4, window_bounds = array<i64: 512>}]} {
    %get3A = arith.constant 0 : index
    %get3A_0 = arith.constant 0 : index
    %get3A_1 = vector.load %arg1[%get3A, %get3A_0] : memref<32x512xf32, #tpu.memory_space<vmem>>, vector<32x512xf32>
    %reduce_sum3A = arith.constant dense<0.000000e+00> : vector<512xf32>
    %reduce_sum3A_2 = vector.multi_reduction <add>, %get3A_1, %reduce_sum3A [0] : vector<32x512xf32> to vector<512xf32>
    %jit3A = arith.constant 1.000000e+00 : f32
    %max3A = vector.broadcast %jit3A : f32 to vector<512xf32>
    %max3A_3 = arith.maximumf %max3A, %reduce_sum3A_2 : vector<512xf32>
    %rsqrt3A = math.rsqrt %max3A_3 : vector<512xf32>
    %swap3A = arith.constant 0 : index
    %swap3A_4 = vector.load %arg4[%swap3A] : memref<512xf32, #tpu.memory_space<vmem>>, vector<512xf32>
    tpu.vector_store %arg4[%swap3A], %rsqrt3A {strides = array<i32>} : memref<512xf32, #tpu.memory_space<vmem>>, vector<512xf32>,
    %mul3A = arith.mulf %rsqrt3A, %rsqrt3A : vector<512xf32>
    %swap3A_5 = arith.constant 0 : index
    %swap3A_6 = vector.load %arg5[%swap3A_5] : memref<512xf32, #tpu.memory_space<vmem>>, vector<512xf32>
    tpu.vector_store %arg5[%swap3A_5], %mul3A {strides = array<i32>} : memref<512xf32, #tpu.memory_space<vmem>>, vector<512xf32>,
    %get3A_7 = arith.constant 0 : index
    %get3A_8 = arith.constant 0 : index
    %get3A_9 = vector.load %arg2[%get3A_7, %get3A_8] : memref<512x128xf32, #tpu.memory_space<vmem>>, vector<512x128xf32>
    %broadcast_in_dim3A = vector.shape_cast %rsqrt3A : vector<512xf32> to vector<512x1xf32>
    %mul3A_10 = vector.broadcast %broadcast_in_dim3A : vector<512x1xf32> to vector<512x128xf32>
    %mul3A_11 = arith.mulf %get3A_9, %mul3A_10 : vector<512x128xf32>
    %swap3A_12 = arith.constant 0 : index
    %swap3A_13 = arith.constant 0 : index
    %swap3A_14 = vector.load %arg3[%swap3A_12, %swap3A_13] : memref<512x128xf32, #tpu.memory_space<vmem>>, vector<512x128xf32>
    tpu.vector_store %arg3[%swap3A_12, %swap3A_13], %mul3A_11 {strides = array<i32>} : memref<512x128xf32, #tpu.memory_space<vmem>>, vector<512x128xf32>,
    return
  }
  func.func @transform_0(%arg0: i32) -> (i32, i32) {
    %c0_i32 = arith.constant 0 : i32
    %c0_i32_0 = arith.constant 0 : i32
    return %c0_i32, %arg0 : i32, i32
  }
  func.func @transform_1(%arg0: i32) -> (i32, i32) {
    %c0_i32 = arith.constant 0 : i32
    %c0_i32_0 = arith.constant 0 : i32
    return %arg0, %c0_i32 : i32, i32
  }
  func.func @transform_2(%arg0: i32) -> (i32, i32) {
    %c0_i32 = arith.constant 0 : i32
    %c0_i32_0 = arith.constant 0 : i32
    return %arg0, %c0_i32 : i32, i32
  }
  func.func @transform_3(%arg0: i32) -> i32 {
    %c0_i32 = arith.constant 0 : i32
    return %arg0 : i32
  }
  func.func @transform_4(%arg0: i32) -> i32 {
    %c0_i32 = arith.constant 0 : i32
    return %arg0 : i32
  }
}

module attributes {stable_mosaic.version = 14 : i64} {
  func.func @_scale_sum_body(%arg0: i32, %arg1: memref<2x512x128xf32, #tpu.memory_space<vmem>>, %arg2: memref<512xf32, #tpu.memory_space<vmem>>, %arg3: memref<512x128xf32, #tpu.memory_space<vmem>>) attributes {dimension_semantics = [#tpu.dimension_semantics<arbitrary>], iteration_bounds = array<i64: 20>, scalar_prefetch = 0 : i64, scratch_operands = 0 : i64, tpu.core_type = #tpu.core_type<tc>, window_params = [{transform_indices = @transform_0, window_bounds = array<i64: 2, 512, 128>}, {transform_indices = @transform_1, window_bounds = array<i64: 512>}, {transform_indices = @transform_2, window_bounds = array<i64: 512, 128>}]} {
    %get3A = arith.constant 0 : index
    %get3A_0 = arith.constant 0 : index
    %get3A_1 = arith.constant 0 : index
    %get3A_2 = vector.load %arg1[%get3A, %get3A_0, %get3A_1] : memref<2x512x128xf32, #tpu.memory_space<vmem>>, vector<1x512x128xf32>
    %get3A_3 = vector.shape_cast %get3A_2 : vector<1x512x128xf32> to vector<512x128xf32>
    %get3A_4 = arith.constant 1 : index
    %get3A_5 = arith.constant 0 : index
    %get3A_6 = arith.constant 0 : index
    %get3A_7 = vector.load %arg1[%get3A_4, %get3A_5, %get3A_6] : memref<2x512x128xf32, #tpu.memory_space<vmem>>, vector<1x512x128xf32>
    %get3A_8 = vector.shape_cast %get3A_7 : vector<1x512x128xf32> to vector<512x128xf32>
    %add3A = arith.addf %get3A_3, %get3A_8 : vector<512x128xf32>
    %get3A_9 = arith.constant 0 : index
    %get3A_10 = vector.load %arg2[%get3A_9] : memref<512xf32, #tpu.memory_space<vmem>>, vector<512xf32>
    %broadcast_in_dim3A = vector.shape_cast %get3A_10 : vector<512xf32> to vector<512x1xf32>
    %mul3A = vector.broadcast %broadcast_in_dim3A : vector<512x1xf32> to vector<512x128xf32>
    %mul3A_11 = arith.mulf %add3A, %mul3A : vector<512x128xf32>
    %swap3A = arith.constant 0 : index
    %swap3A_12 = arith.constant 0 : index
    %swap3A_13 = vector.load %arg3[%swap3A, %swap3A_12] : memref<512x128xf32, #tpu.memory_space<vmem>>, vector<512x128xf32>
    tpu.vector_store %arg3[%swap3A, %swap3A_12], %mul3A_11 {strides = array<i32>} : memref<512x128xf32, #tpu.memory_space<vmem>>, vector<512x128xf32>,
    return
  }
  func.func @transform_0(%arg0: i32) -> (i32, i32, i32) {
    %c0_i32 = arith.constant 0 : i32
    %c0_i32_0 = arith.constant 0 : i32
    %c0_i32_1 = arith.constant 0 : i32
    return %c0_i32, %arg0, %c0_i32_0 : i32, i32, i32
  }
  func.func @transform_1(%arg0: i32) -> i32 {
    %c0_i32 = arith.constant 0 : i32
    return %arg0 : i32
  }
  func.func @transform_2(%arg0: i32) -> (i32, i32) {
    %c0_i32 = arith.constant 0 : i32
    %c0_i32_0 = arith.constant 0 : i32
    return %arg0, %c0_i32 : i32, i32
  }
}

module attributes {stable_mosaic.version = 14 : i64} {
  func.func @_final_body(%arg0: i32, %arg1: memref<2x512x128xf32, #tpu.memory_space<vmem>>, %arg2: memref<512xf32, #tpu.memory_space<vmem>>, %arg3: memref<512x128xf32, #tpu.memory_space<vmem>>, %arg4: memref<128x128xf32, #tpu.memory_space<vmem>>, %arg5: memref<128x128xf32, #tpu.memory_space<vmem>>, %arg6: memref<128xf32, #tpu.memory_space<vmem>>, %arg7: memref<128xf32, #tpu.memory_space<vmem>>, %arg8: memref<512x128xf32, #tpu.memory_space<vmem>>) attributes {dimension_semantics = [#tpu.dimension_semantics<arbitrary>], iteration_bounds = array<i64: 20>, scalar_prefetch = 0 : i64, scratch_operands = 0 : i64, tpu.core_type = #tpu.core_type<tc>, window_params = [{transform_indices = @transform_0, window_bounds = array<i64: 2, 512, 128>}, {transform_indices = @transform_1, window_bounds = array<i64: 512>}, {transform_indices = @transform_2, window_bounds = array<i64: 512, 128>}, {pipeline_mode = #tpu.pipeline_mode<synchronous>, transform_indices = @transform_3, window_bounds = array<i64: 128, 128>}, {pipeline_mode = #tpu.pipeline_mode<synchronous>, transform_indices = @transform_4, window_bounds = array<i64: 128, 128>}, {pipeline_mode = #tpu.pipeline_mode<synchronous>, transform_indices = @transform_5, window_bounds = array<i64: 128>}, {pipeline_mode = #tpu.pipeline_mode<synchronous>, transform_indices = @transform_6, window_bounds = array<i64: 128>}, {transform_indices = @transform_7, window_bounds = array<i64: 512, 128>}]} {
    %get3A = arith.constant 0 : index
    %get3A_0 = arith.constant 0 : index
    %get3A_1 = arith.constant 0 : index
    %get3A_2 = vector.load %arg1[%get3A, %get3A_0, %get3A_1] : memref<2x512x128xf32, #tpu.memory_space<vmem>>, vector<1x512x128xf32>
    %get3A_3 = vector.shape_cast %get3A_2 : vector<1x512x128xf32> to vector<512x128xf32>
    %get3A_4 = arith.constant 1 : index
    %get3A_5 = arith.constant 0 : index
    %get3A_6 = arith.constant 0 : index
    %get3A_7 = vector.load %arg1[%get3A_4, %get3A_5, %get3A_6] : memref<2x512x128xf32, #tpu.memory_space<vmem>>, vector<1x512x128xf32>
    %get3A_8 = vector.shape_cast %get3A_7 : vector<1x512x128xf32> to vector<512x128xf32>
    %add3A = arith.addf %get3A_3, %get3A_8 : vector<512x128xf32>
    %get3A_9 = arith.constant 0 : index
    %get3A_10 = vector.load %arg2[%get3A_9] : memref<512xf32, #tpu.memory_space<vmem>>, vector<512xf32>
    %broadcast_in_dim3A = vector.shape_cast %get3A_10 : vector<512xf32> to vector<512x1xf32>
    %mul3A = vector.broadcast %broadcast_in_dim3A : vector<512x1xf32> to vector<512x128xf32>
    %mul3A_11 = arith.mulf %add3A, %mul3A : vector<512x128xf32>
    %get3A_12 = arith.constant 0 : index
    %get3A_13 = arith.constant 0 : index
    %get3A_14 = vector.load %arg4[%get3A_12, %get3A_13] : memref<128x128xf32, #tpu.memory_space<vmem>>, vector<128x128xf32>
    %dot_general3A = arith.constant dense<0.000000e+00> : vector<512x128xf32>
    %dot_general3A_15 = tpu.matmul %mul3A_11, %get3A_14, %dot_general3A {dimension_numbers = #tpu.dot_dimension_numbers<[1], [0], [0], [1], [0, 0, 1, 1], [], []>, transpose_lhs_hint = false} : vector<512x128xf32>, vector<128x128xf32>, vector<512x128xf32> -> vector<512x128xf32>
    %get3A_16 = arith.constant 0 : index
    %get3A_17 = arith.constant 0 : index
    %get3A_18 = vector.load %arg3[%get3A_16, %get3A_17] : memref<512x128xf32, #tpu.memory_space<vmem>>, vector<512x128xf32>
    %get3A_19 = arith.constant 0 : index
    %get3A_20 = arith.constant 0 : index
    %get3A_21 = vector.load %arg5[%get3A_19, %get3A_20] : memref<128x128xf32, #tpu.memory_space<vmem>>, vector<128x128xf32>
    %dot_general3A_22 = arith.constant dense<0.000000e+00> : vector<512x128xf32>
    %dot_general3A_23 = tpu.matmul %get3A_18, %get3A_21, %dot_general3A_22 {dimension_numbers = #tpu.dot_dimension_numbers<[1], [0], [0], [1], [0, 0, 1, 1], [], []>, transpose_lhs_hint = false} : vector<512x128xf32>, vector<128x128xf32>, vector<512x128xf32> -> vector<512x128xf32>
    %add3A_24 = arith.addf %dot_general3A_15, %dot_general3A_23 : vector<512x128xf32>
    %get3A_25 = arith.constant 0 : index
    %get3A_26 = vector.load %arg6[%get3A_25] : memref<128xf32, #tpu.memory_space<vmem>>, vector<128xf32>
    %broadcast_in_dim3A_27 = vector.shape_cast %get3A_26 : vector<128xf32> to vector<1x128xf32>
    %add3A_28 = vector.broadcast %broadcast_in_dim3A_27 : vector<1x128xf32> to vector<512x128xf32>
    %add3A_29 = arith.addf %add3A_24, %add3A_28 : vector<512x128xf32>
    %get3A_30 = arith.constant 0 : index
    %get3A_31 = vector.load %arg7[%get3A_30] : memref<128xf32, #tpu.memory_space<vmem>>, vector<128xf32>
    %broadcast_in_dim3A_32 = vector.shape_cast %get3A_31 : vector<128xf32> to vector<1x128xf32>
    %add3A_33 = vector.broadcast %broadcast_in_dim3A_32 : vector<1x128xf32> to vector<512x128xf32>
    %add3A_34 = arith.addf %add3A_29, %add3A_33 : vector<512x128xf32>
    %swap3A = arith.constant 0 : index
    %swap3A_35 = arith.constant 0 : index
    %swap3A_36 = vector.load %arg8[%swap3A, %swap3A_35] : memref<512x128xf32, #tpu.memory_space<vmem>>, vector<512x128xf32>
    tpu.vector_store %arg8[%swap3A, %swap3A_35], %add3A_34 {strides = array<i32>} : memref<512x128xf32, #tpu.memory_space<vmem>>, vector<512x128xf32>,
    return
  }
  func.func @transform_0(%arg0: i32) -> (i32, i32, i32) {
    %c0_i32 = arith.constant 0 : i32
    %c0_i32_0 = arith.constant 0 : i32
    %c0_i32_1 = arith.constant 0 : i32
    return %c0_i32, %arg0, %c0_i32_0 : i32, i32, i32
  }
  func.func @transform_1(%arg0: i32) -> i32 {
    %c0_i32 = arith.constant 0 : i32
    return %arg0 : i32
  }
  func.func @transform_2(%arg0: i32) -> (i32, i32) {
    %c0_i32 = arith.constant 0 : i32
    %c0_i32_0 = arith.constant 0 : i32
    return %arg0, %c0_i32 : i32, i32
  }
  func.func @transform_3(%arg0: i32) -> (i32, i32) {
    %c0_i32 = arith.constant 0 : i32
    %c0_i32_0 = arith.constant 0 : i32
    %c0_i32_1 = arith.constant 0 : i32
    return %c0_i32, %c0_i32_0 : i32, i32
  }
  func.func @transform_4(%arg0: i32) -> (i32, i32) {
    %c0_i32 = arith.constant 0 : i32
    %c0_i32_0 = arith.constant 0 : i32
    %c0_i32_1 = arith.constant 0 : i32
    return %c0_i32, %c0_i32_0 : i32, i32
  }
  func.func @transform_5(%arg0: i32) -> i32 {
    %c0_i32 = arith.constant 0 : i32
    %c0_i32_0 = arith.constant 0 : i32
    return %c0_i32 : i32
  }
  func.func @transform_6(%arg0: i32) -> i32 {
    %c0_i32 = arith.constant 0 : i32
    %c0_i32_0 = arith.constant 0 : i32
    return %c0_i32 : i32
  }
  func.func @transform_7(%arg0: i32) -> (i32, i32) {
    %c0_i32 = arith.constant 0 : i32
    %c0_i32_0 = arith.constant 0 : i32
    return %arg0, %c0_i32 : i32, i32
  }
}

</mosaic_0001>

<sc_bundles>
// kernel: kernel.11.cloned.1.call-start
scs
__scs_entry_jumppad:
0x0: {  	(pc) =	sbr.rel $0x88, $3  }
0x1: {  	(tag) =	ssettag $0x0;
	lr =	simm.s32 $0x1  }
0x2: {  	[smem:$0x3F9B] =	sst lr;
	_ =	strace $0xD0000000  }
0x3: {  	_ = 	snop  }
0x4: {  	_ = 	snop  }
0x5: {  	_ = 	snop  }
0x6: {  	_ = 	snop  }
0x7: {  	_ = 	snop  }
__scs_overlays_trampoline_lowered:
0x8: {  	[smem:$0x3FAA] =	sst s0  }
0x9: {  	[smem:$0x3FAB] =	sst s1  }
0xa: {  	[smem:$0x3FAC] =	sst s2  }
0xb: {  	[smem:$0x3FAD] =	sst s3  }
0xc: {  	[smem:$0x3FAE] =	sst s4  }
0xd: {  	[smem:$0x3FAF] =	sst s5  }
0xe: {  	[smem:$0x3FB0] =	sst s6  }
0xf: {  	[smem:$0x3FB1] =	sst s7  }
0x10: {  	[smem:$0x3FB2] =	sst s8  }
0x11: {  	[smem:$0x3FB3] =	sst s9;
	s0 =	simm.s32 @!p0 $0x0  }
0x12: {  	s1 =	sld [smem:$0x3F99];
	s0 =	simm.s32 @p0 $0x1  }
0x13: {  	[smem:$0x3FB4] =	sst s0;
	s0 =	simm.s32 @!p1 $0x0  }
0x14: {  	s2 =	sld [smem:$0x3F98];
	s0 =	simm.s32 @p1 $0x1  }
0x15: {  	[smem:$0x3FB5] =	sst s0;
	s0 =	simm.s32 @!p2 $0x0  }
0x16: {  	s3 =	sld [smem:$0x3FDB];
	s0 =	simm.s32 @p2 $0x1  }
0x17: {  	s4 =	simm.s32 $0x1BF5;
	[smem:$0x3FB7] =	sst s0  }
0x18: {  	s0 =	sld [smem:$0x3F9A];
	_ =	swait.ge [sflag:s4], $0x0  }
0x19: {  	s7 =	sld [smem:$0x3F9B]  }
0x1a: {  	s8 =	sadd.s32 $0xFFFFE003, lr  }
0x1b: {  	s9 =	sadd.s32 $0xFFFFFEF7, lr;
	s5 =	simm.s32 $0xFFFFFFFF;
	p2 =	slt.u32 s8, $0xFFFFF086  }
0x1c: {  	p1 =	slt.u32 s9, $0xF7A;
	s5 =	simm.s32 @!p2 $0x0  }
0x1d: {  	s5 =	simm.s32 @p1 $0x1;
	p0 =	seq.s32 s7, s2  }
0x1e: {  	s7 =	smul.u32 @!p0 $0xF7A, s2;
	p2 =	seq.s32 @!p0 s5, $0x0  }
0x1f: {  	s9 =	smul.u32 $0xF7A, s1;
	s8 =	simm.s32 @!p0 $0x1BF5;
	p2 =	por !p2, p0  }
0x20: {  	[sflag:s8] =	ssyncset.s32 @!p0 $0xFFFFF086;
	s6 =	sadd.s32 @!p0 s3, s7;
	s7 =	simm.s32 @!p0 $0x108  }
0x21: {  	s3 =	sadd.s32 s3, s9;
	s6 =	sadd.s32 @!p0 $0x88, s6;
	s7 =	simm.s32 @p2 $0x1082  }
0x22: {  	[simem:s7], [sflag:s8] =	dma.local @!p0 [hbm:s6], $0xF7A  }
0x23: {  	s9 =	sor.u32 $0xD0000000, s2;
	s6 =	simm.s32 $0x108;
	_ =	swait.ge @!p0 [sflag:s8], $0x0  }
0x24: {  	s3 =	sadd.s32 $0x88, s3;
	s6 =	simm.s32 @!p1 $0x1082;
	[sflag:s4] =	ssyncset.s32 $0xFFFFF086  }
0x25: {  	[simem:s6], [sflag:s4] =	dma.local [hbm:s3], $0xF7A  }
0x26: {  	[smem:$0x3F9B] =	sst s1;
	(tag) =	ssettag s2;
	_ =	strace s9  }
0x27: {  	s1 =	sld [smem:$0x3FAB]  }
0x28: {  	s2 =	sld [smem:$0x3FAC]  }
0x29: {  	s4 =	sld [smem:$0x3FAE]  }
0x2a: {  	p0 =	seq.s32 s5, $0x0;
	s5 =	sld [smem:$0x3FAF]  }
0x2b: {  	s6 =	sld [smem:$0x3FB0]  }
0x2c: {  	s7 =	sld [smem:$0x3FB1]  }
0x2d: {  	s3 =	simm.s32 $0x108;
	s8 =	sld [smem:$0x3FB2]  }
0x2e: {  	s3 =	simm.s32 @!p0 $0x1082;
	s9 =	sld [smem:$0x3FB3]  }
0x2f: {  	lr =	sadd.s32 s0, s3;
	s0 =	sld [smem:$0x3FAA]  }
0x30: {  	s3 =	sld [smem:$0x3FAD]  }
0x31: {  	[smem:$0x3FB6] =	sst s10  }
0x32: {  	s10 =	sld [smem:$0x3FB4];
	_ =	sdelay $0x3  }
0x33: {  	p0 =	seq.s32 s10, $0x1;
	s10 =	sld [smem:$0x3FB6];
	_ =	sdelay $0x3  }
0x34: {  	[smem:$0x3FB6] =	sst s10  }
0x35: {  	s10 =	sld [smem:$0x3FB5];
	_ =	sdelay $0x3  }
0x36: {  	p1 =	seq.s32 s10, $0x1;
	s10 =	sld [smem:$0x3FB6];
	_ =	sdelay $0x3  }
0x37: {  	[smem:$0x3FB6] =	sst s10  }
0x38: {  	s10 =	sld [smem:$0x3FB7]  }
0x39: {  	_ = 	snop;
	(pc) =	sbr.ind lr, $3  }
0x3a: {  	_ = 	snop  }
0x3b: {  	_ = 	snop  }
0x3c: {  	p2 =	seq.s32 s10, $0x1;
	s10 =	sld [smem:$0x3FB6]  }
0x3d: {  	_ =	shalt  }
0x3e: {  	_ =	shalt  }
0x3f: {  	_ =	shalt  }
0x40: {  	_ =	shalt  }
0x41: {  	_ =	shalt  }
0x42: {  	_ =	shalt  }
0x43: {  	_ =	shalt  }
0x44: {  	_ =	shalt  }
0x45: {  	_ =	shalt  }
0x46: {  	_ =	shalt  }
0x47: {  	_ =	shalt  }
0x48: {  	_ =	shalt  }
0x49: {  	_ =	shalt  }
0x4a: {  	_ =	shalt  }
0x4b: {  	_ =	shalt  }
0x4c: {  	_ =	shalt  }
0x4d: {  	_ =	shalt  }
0x4e: {  	_ =	shalt  }
0x4f: {  	_ =	shalt  }
0x50: {  	_ =	shalt  }
0x51: {  	_ =	shalt  }
0x52: {  	_ =	shalt  }
0x53: {  	_ =	shalt  }
0x54: {  	_ =	shalt  }
0x55: {  	_ =	shalt  }
0x56: {  	_ =	shalt  }
0x57: {  	_ =	shalt  }
0x58: {  	_ =	shalt  }
0x59: {  	_ =	shalt  }
0x5a: {  	_ =	shalt  }
0x5b: {  	_ =	shalt  }
0x5c: {  	_ =	shalt  }
0x5d: {  	_ =	shalt  }
0x5e: {  	_ =	shalt  }
0x5f: {  	_ =	shalt  }
0x60: {  	_ =	shalt  }
0x61: {  	_ =	shalt  }
0x62: {  	_ =	shalt  }
0x63: {  	_ =	shalt  }
0x64: {  	_ =	shalt  }
0x65: {  	_ =	shalt  }
0x66: {  	_ =	shalt  }
0x67: {  	_ =	shalt  }
0x68: {  	_ =	shalt  }
0x69: {  	_ =	shalt  }
0x6a: {  	_ =	shalt  }
0x6b: {  	_ =	shalt  }
0x6c: {  	_ =	shalt  }
0x6d: {  	_ =	shalt  }
0x6e: {  	_ =	shalt  }
0x6f: {  	_ =	shalt  }
0x70: {  	_ =	shalt  }
0x71: {  	_ =	shalt  }
0x72: {  	_ =	shalt  }
0x73: {  	_ =	shalt  }
0x74: {  	_ =	shalt  }
0x75: {  	_ =	shalt  }
0x76: {  	_ =	shalt  }
0x77: {  	_ =	shalt  }
0x78: {  	_ =	shalt  }
0x79: {  	_ =	shalt  }
0x7a: {  	_ =	shalt  }
0x7b: {  	_ =	shalt  }
0x7c: {  	_ =	shalt  }
0x7d: {  	_ =	shalt  }
0x7e: {  	_ =	shalt  }
0x7f: {  	_ =	shalt  }
0x80: {  	_ =	shalt  }
0x81: {  	_ =	shalt  }
0x82: {  	_ =	shalt  }
0x83: {  	_ =	shalt  }
0x84: {  	_ =	shalt  }
0x85: {  	_ =	shalt  }
0x86: {  	_ =	shalt  }
0x87: {  	_ =	shalt  }
.Lfunc_end0:
.L_simem_size_0:
called_computation.1_lowered:
.L_overlay_start_0:
0x88: {  	s2 =	sld [smem:$0x3FD9]  }
0x89: {  	s3 =	sld [smem:$0x3FFE];
	_ =	sdelay $0x1  }
0x8a: {  	s1 =	srdreg.scid  }
0x8b: {  	s0 =	sand.u32 $0x1, s1  }
0x8c: {  	s17 =	sshll.u32 s0, $0xA;
	s2 =	sadd.s32 s3, s2  }
0x8d: {  	s2 =	sadd.s32 s2, s17  }
0x8e: {  	[smem:$0x3FC2] =	sst s2  }
0x8f: {  	_ = 	snop  }
0x90: {  	s2 =	sld [smem:$0x3FD0];
	(tm) =	ssettm $0x1  }
0x91: {  	s18 =	sld [smem:$0x3FFB];
	_ =	sdelay $0x3  }
0x92: {  	_ =	strace s18  }
0x93: {  	s3 =	sld [smem:$0x3FFC];
	_ =	sdelay $0x3  }
0x94: {  	_ =	strace s3  }
0x95: {  	s3 =	sld [smem:$0x3FFD];
	_ =	sdelay $0x3  }
0x96: {  	_ =	strace s3  }
0x97: {  	_ =	strace $0x8FFFFFFF  }
0x98: {  	s19 =	sld [smem:$0x3FDB];
	_ =	sdelay $0x1  }
0x99: {  	s4 =	simm.s32 $_scs_section_size  }
0x9a: {  	s5 =	simm.s32 $_size__tile_overlayer_lowered;
	s6 =	simm.s32 $_tile_overlayer_lowered  }
0x9b: {  	s22 =	simm.s32 $0x1BFF;
	s21 =	sshll.u32 s6, $0x1;
	s3 =	sadd.s32 s4, s19  }
0x9c: {  	s7 =	simm.s32 $0x0;
	s20 =	sshll.u32 s5, $0x1;
	s5 =	sadd.s32 s21, s3  }
0x9d: {  	[timem:s7], [sflag:s22] =	dma.local [hbm:s5], s20  }
0x9e: {  	_ =	swait.ge [sflag:s22], s20  }
0x9f: {  	s4 =	ssub.s32 $0x0, s20;
	[sflag:s22] =	ssyncset.done $0x0  }
0xa0: {  	[sflag:s22] =	ssyncadd.s32 s4;
	_ =	sdelay $0x1  }
0xa1: {  	s23 =	simm.s32 $0x1B8B  }
0xa2: {  	_ =	swait.ge [sflag:s23], $0x1  }
0xa3: {  	[sflag:s23] =	ssyncset.done $0x0  }
0xa4: {  	s25 =	simm.s32 $0x1B8E;
	s24 =	sld [smem:$0x3FFE];
	[sflag:s23] =	ssyncadd.s32 $0xFFFFFFFF  }
0xa5: {  	s26 =	simm.s32 $execute0_lowered;
	[smem:$0x3FD2] =	sst s25  }
0xa6: {  	s5 =	sshll.u32 s26, $0x1;
	_ =	strace $0x80000049;
	[dreg:$0x1] =	wrdreg $0xFFFFFFFF  }
0xa7: {  	s28 =	simm.s32 $_size_execute0_lowered;
	s3 =	sadd.s32 s3, s5;
	[dreg:$0x0] =	wrdreg $0x0  }
0xa8: {  	s5 =	sshll.u32 s28, $0x1;
	[dreg:$0x2] =	wrdreg s3  }
0xa9: {  	[dreg:$0x3] =	wrdreg s5  }
0xaa: {  	[dreg:$0x4] =	wrdreg $0xC0  }
0xab: {  	_ =	task [dreg:s7], $0x5FFFF  }
0xac: {  	[dreg:$0x1] =	wrdreg $0xFFFFFFFF  }
0xad: {  	[dreg:$0x0] =	wrdreg $0x60  }
0xae: {  	[dreg:$0x2] =	wrdreg s24  }
0xaf: {  	[dreg:$0x3] =	wrdreg s2  }
0xb0: {  	[dreg:$0x4] =	wrdreg $0x0  }
0xb1: {  	[dreg:$0x5] =	wrdreg $0x9  }
0xb2: {  	_ =	task.clear_ibuf [dreg:s7], $0x6FFFF;
	_ =	strace $0x90000049  }
0xb3: {  	s29 =	simm.s32 $0x9;
	_ =	strace $0x8000004B  }
0xb4: {  	_ =	swait.ge [sflag:s29], $0x1  }
0xb5: {  	[sflag:s29] =	ssyncadd.s32 $0xFFFFFFFF  }
0xb6: {  	_ =	strace $0x9000004B  }
0xb7: {  	_ =	sfence  }
0xb8: {  	s30 =	sld [smem:$0x0];
	_ =	sdelay $0x2  }
0xb9: {  	s31 =	sshll.u32 s1, $0xD;
	s1 =	sshrl.u32 s1, $0x2  }
0xba: {  	s3 =	sand.u32 $0x4000, s31;
	s1 =	sadd.s32 s1, s30  }
0xbb: {  	s0 =	sor.u32 s3, s0;
	s1 =	sshll.u32 s1, $0x11  }
0xbc: {  	s0 =	sor.u32 s1, s0  }
0xbd: {  	s0 =	sadd.s32 $0x8F2B, s0  }
0xbe: {  	[sflag:s0] =	ssyncadd.remote.s32 $0x1  }
0xbf: {  	_ =	sfence.sel $0xFFFF  }
0xc0: {  	[dreg:$0x0] =	wrdreg $0xFFFFFFFF;
	(pc) =	sbr.abs _section_cstart, $3  }
0xc1: {  	[dreg:$0x1] =	wrdreg $0xFFFFFFFF  }
0xc2: {  	_ =	task.clear_ibuf [dreg:s7], $0x2FFFF;
	_ =	strace $0x9FFFFFFF  }
0xc3: {  	(tm) =	ssettm $0x7FFFFFFF  }
tec
execute0_lowered:
.L_overlay_start_1:
0x0: {  	(tag) =	ssettag $0x1  }
0x1: {  	s6 =	rddreg [dreg:$0x0]  }
0x2: {  	s7 =	rddreg [dreg:$0x1]  }
0x3: {  	s0 =	srdreg.scid;
	s2 =	rddreg [dreg:$0x2]  }
0x4: {  	s1 =	rddreg [dreg:$0x3];
	s8 =	sand.u32 $0x1, s0  }
0x5: {  	s3 =	simm.s32 $0x0;
	s0 =	stileid.u32;
	s4 =	smul.u32 $0x28000, s8  }
0x6: {  	s15 =	simm.s32 $0x80;
	s16 =	simm.s32 $0x19000;
	s5 =	smul.u32 $0x2800, s0  }
0x7: {  	s17 =	simm.s32 $0x1;
	[smem:$0x7FF] =	sst s3;
	s9 =	smul.u32 $0x140000, s8  }
0x8: {  	s18 =	simm.s32 $0x0;
	s10 =	smul.u32 $0x14000, s0;
	_ =	strace $0x8000004A  }
0x9: {  	s12 =	smul.u32 $0x50000, s0;
	s31 =	ssub.s32 $0x2, s8;
	s13 =	sshll.u32 s0, $0x6  }
0xa: {  	s8 =	sshrl.u32 s31, $0x1;
	s5 =	sadd.s32 s5, s4;
	s4 =	sadd.s32 $0x1FE00, s6  }
0xb: {  	s29 =	sadd.s32 s10, s9;
	s12 =	sshrl.u32 s12, $0x2;
	s14 =	ssub.s32 s31, s8  }
0xc: {  	s11 =	sshrl.u32 s5, $0x3;
	s10 =	sshrl.u32 s29, $0x3;
	s5 =	sadd.s32 $0x2000, s6  }
0xd: {  	s12 =	sadd.s32 s12, s2;
	s30 =	sadd.s32 s11, s6;
	s10 =	sadd.s32 s10, s6  }
0xe: {  	s6 =	sor.u32 $0x1C02, s13;
	s7 =	sadd.s32 s7, s11;
	s11 =	sshrl.u32 s12, $0x3  }
0xf: {  	s12 =	simm.s32 $0x2;
	s13 =	simm.s32 $0x14000;
	s8 =	sadd.s32 $0x15E00, s30  }
0x10: {  	s9 =	sadd.s32 $0x47E00, s10;
	s10 =	smax.u32 s14, $0x1;
	s14 =	simm.s32 $0x16800  }
.LBB2_1:
0x11: {  	[spmem:s11], [sflag:s6] =	dma.local [hbm:s5], $0x2800  }
0x12: {  	_ =	swait.ge [sflag:s12], $0x2800  }
0x13: {  	[sflag:s12] =	ssyncset.done $0x0  }
0x14: {  	[sflag:s12] =	ssyncadd.s32 $0xFFFFD800  }
0x15: {  	[tilespmem:s13], [sflag:$0x2] =	stream.linear.gather [hbm4b:s7+s3], $0x2780, $0x38;
	[tilespmem:$0x1D000] =	vst v63  }
0x16: {  	_ =	swait.ge [sflag:s12], $0x2780  }
0x17: {  	[sflag:s12] =	ssyncset.done $0x0  }
0x18: {  	[sflag:s12] =	ssyncadd.s32 $0xFFFFD880  }
0x19: {  	[tilespmem:s14], [sflag:$0x2] =	stream.linear.gather [hbm4b:s8+s3], $0x2780, $0x38;
	[tilespmem:$0x1D000] =	vst v63  }
0x1a: {  	_ =	swait.ge [sflag:s12], $0x2780  }
0x1b: {  	[sflag:s12] =	ssyncset.done $0x0  }
0x1c: {  	[sflag:s12] =	ssyncadd.s32 $0xFFFFD880  }
0x1d: {  	s19 =	simm.s32 $0x14000;
	[bflag:$0x0] =	sbarrier.arrive $0xFFFF  }
0x1e: {  	[tilespmem:s16], [sflag:$0x1] =	stream.indirect.gather [hbm4b:s4+s15], $0x80, s19, s15, $0xb8;
	[tilespmem:$0x1D000] =	vst v63  }
0x1f: {  	_ =	swait.ge [sflag:s17], $0x4000  }
0x20: {  	[sflag:s17] =	ssyncset.done $0x0  }
0x21: {  	s31 =	simm.s32 $0x16800;
	[sflag:s17] =	ssyncadd.s32 $0xFFFFC000  }
0x22: {  	[spmem:s2] =	stream.indirect.scatter.add.f32 [tilespmem:s16], [sflag:$0x2], $0x80, s31, s15, $0xb8;
	[tilespmem:$0x1D000] =	vst v63  }
0x23: {  	_ =	swait.ge [sflag:s12], $0x4000  }
0x24: {  	s20 =	simm.s32 $0x400;
	s19 =	simm.s32 $0x80;
	[sflag:s12] =	ssyncset.done $0x0  }
.LBB2_2:
0x25: {  	s21 =	sadd.s32 $0x14000, s19  }
0x26: {  	[sflag:s12] =	ssyncadd.s32 $0xFFFFC000;
	s22 =	smov.u32 s20;
	s23 =	sadd.s32 $0x200, s20  }
0x27: {  	[tilespmem:s16], [sflag:$0x1] =	stream.indirect.gather [hbm4b:s4+s15], $0x80, s21, s15, $0xb8;
	[tilespmem:$0x1D000] =	vst v63  }
0x28: {  	p0 =	sne.s32 s20, $0x9C00;
	_ =	swait.ge [sflag:s17], $0x4000  }
.Ltmp0:
0x29: {  	[sflag:s17] =	ssyncset.done $0x0;
	(pc) =	sbr.rel @p0 .LBB2_2-.Ltmp0, $4  }
0x2a: {  	s19 =	sadd.s32 $0x16800, s19;
	[sflag:s17] =	ssyncadd.s32 $0xFFFFC000  }
0x2b: {  	[spmem:s2] =	stream.indirect.scatter.add.f32 [tilespmem:s16], [sflag:$0x2], $0x80, s19, s15, $0xb8;
	[tilespmem:$0x1D000] =	vst v63  }
0x2c: {  	_ =	swait.ge [sflag:s12], $0x4000  }
0x2d: {  	s20 =	smov.u32 s23;
	s19 =	sshra.s32 s22, $0x2;
	[sflag:s12] =	ssyncset.done $0x0  }
0x2e: {  	s20 =	sadd.s32 $0x14000, s19;
	[sflag:s12] =	ssyncadd.s32 $0xFFFFC000  }
0x2f: {  	[tilespmem:s16], [sflag:$0x1] =	stream.indirect.gather [hbm4b:s4+s15], $0x80, s20, s15, $0xb8;
	[tilespmem:$0x1D000] =	vst v63  }
0x30: {  	_ =	swait.ge [sflag:s17], $0x4000  }
0x31: {  	[sflag:s17] =	ssyncset.done $0x0  }
0x32: {  	s31 =	sadd.s32 $0x16800, s19;
	[sflag:s17] =	ssyncadd.s32 $0xFFFFC000  }
0x33: {  	[spmem:s2] =	stream.indirect.scatter.add.f32 [tilespmem:s16], [sflag:$0x2], $0x80, s31, s15, $0xb8;
	[tilespmem:$0x1D000] =	vst v63  }
0x34: {  	_ =	swait.ge [sflag:s12], $0x4000  }
0x35: {  	s18 =	sadd.s32 $0x1, s18;
	[sflag:s12] =	ssyncset.done $0x0  }
0x36: {  	p0 =	sne.s32 s18, s10;
	[sflag:s12] =	ssyncadd.s32 $0xFFFFC000  }
.Ltmp1:
0x37: {  	[bflag:$0x0] =	sbarrier.arrive $0xFFFF;
	(pc) =	sbr.rel @p0 .LBB2_1-.Ltmp1, $4  }
0x38: {  	[hbm:s9], [sflag:s6] =	dma.local [spmem:s11], $0x2800  }
0x39: {  	_ =	swait.ge [sflag:s12], $0x2800  }
0x3a: {  	[sflag:s12] =	ssyncset.done $0x0  }
0x3b: {  	[sflag:s12] =	ssyncadd.s32 $0xFFFFD800  }
0x3c: {  	_ =	sfence.sel $0x180000  }
0x3d: {  	[bflag:$0x0] =	sbarrier.arrive $0xFFFF  }
0x3e: {  	p0 =	sne.s32 s0, $0x0;
	_ =	strace $0x9000004A  }
0x3f: {  	s0 =	sadd.s32 @!p0 $0x100000, s1;
	[bflag:$0x2] =	sbarrier.arrive $0xFFFF  }
0x40: {  	[sflag:s0] =	ssyncadd.tile.s32 @!p0 $0x1;
	_ =	shalt  }
.Lfunc_end2:
_tile_overlayer_lowered:
.L_overlay_start_2:
0x41: {  	(tag) =	ssettag $0x2  }
0x42: {  	s0 =	rddreg [dreg:$0x0];
	s2 =	stileid.u32  }
0x43: {  	s1 =	rddreg [dreg:$0x1];
	p0 =	sne.s32 s2, $0x0  }
0x44: {  	s3 =	rddreg [dreg:$0x2];
	[bflag:$0x3] =	sbarrier.arrive $0xFFFF;
	s2 =	simm.s32 @!p0 $0x1C02  }
0x45: {  	[timem:s3], [sflag:s2] =	dma.local @!p0 [hbm:s0], s1  }
0x46: {  	s0 =	simm.s32 @!p0 $0x2  }
0x47: {  	_ =	swait.ge @!p0 [sflag:s0], s1  }
0x48: {  	s1 =	ssub.s32 @!p0 $0x0, s1;
	[sflag:s0] =	ssyncset.done @!p0 $0x0  }
0x49: {  	[sflag:s0] =	ssyncadd.s32 @!p0 s1  }
0x4a: {  	[bflag:$0x3] =	sbarrier.arrive $0xFFFF  }
0x4b: {  	_ =	shalt  }

// kernel: kernel.14.cloned.1.call-start
scs
__scs_entry_jumppad:
0x0: {  	(pc) =	sbr.rel $0x88, $3  }
0x1: {  	(tag) =	ssettag $0x0;
	lr =	simm.s32 $0x1  }
0x2: {  	[smem:$0x3F9B] =	sst lr;
	_ =	strace $0xD0000000  }
0x3: {  	_ = 	snop  }
0x4: {  	_ = 	snop  }
0x5: {  	_ = 	snop  }
0x6: {  	_ = 	snop  }
0x7: {  	_ = 	snop  }
__scs_overlays_trampoline_lowered:
0x8: {  	[smem:$0x3FAA] =	sst s0  }
0x9: {  	[smem:$0x3FAB] =	sst s1  }
0xa: {  	[smem:$0x3FAC] =	sst s2  }
0xb: {  	[smem:$0x3FAD] =	sst s3  }
0xc: {  	[smem:$0x3FAE] =	sst s4  }
0xd: {  	[smem:$0x3FAF] =	sst s5  }
0xe: {  	[smem:$0x3FB0] =	sst s6  }
0xf: {  	[smem:$0x3FB1] =	sst s7  }
0x10: {  	[smem:$0x3FB2] =	sst s8  }
0x11: {  	[smem:$0x3FB3] =	sst s9;
	s0 =	simm.s32 @!p0 $0x0  }
0x12: {  	s1 =	sld [smem:$0x3F99];
	s0 =	simm.s32 @p0 $0x1  }
0x13: {  	[smem:$0x3FB4] =	sst s0;
	s0 =	simm.s32 @!p1 $0x0  }
0x14: {  	s2 =	sld [smem:$0x3F98];
	s0 =	simm.s32 @p1 $0x1  }
0x15: {  	[smem:$0x3FB5] =	sst s0;
	s0 =	simm.s32 @!p2 $0x0  }
0x16: {  	s3 =	sld [smem:$0x3FDB];
	s0 =	simm.s32 @p2 $0x1  }
0x17: {  	s4 =	simm.s32 $0x1BF5;
	[smem:$0x3FB7] =	sst s0  }
0x18: {  	s0 =	sld [smem:$0x3F9A];
	_ =	swait.ge [sflag:s4], $0x0  }
0x19: {  	s7 =	sld [smem:$0x3F9B]  }
0x1a: {  	s8 =	sadd.s32 $0xFFFFE003, lr  }
0x1b: {  	s9 =	sadd.s32 $0xFFFFFEF7, lr;
	s5 =	simm.s32 $0xFFFFFFFF;
	p2 =	slt.u32 s8, $0xFFFFF086  }
0x1c: {  	p1 =	slt.u32 s9, $0xF7A;
	s5 =	simm.s32 @!p2 $0x0  }
0x1d: {  	s5 =	simm.s32 @p1 $0x1;
	p0 =	seq.s32 s7, s2  }
0x1e: {  	s7 =	smul.u32 @!p0 $0xF7A, s2;
	p2 =	seq.s32 @!p0 s5, $0x0  }
0x1f: {  	s9 =	smul.u32 $0xF7A, s1;
	s8 =	simm.s32 @!p0 $0x1BF5;
	p2 =	por !p2, p0  }
0x20: {  	[sflag:s8] =	ssyncset.s32 @!p0 $0xFFFFF086;
	s6 =	sadd.s32 @!p0 s3, s7;
	s7 =	simm.s32 @!p0 $0x108  }
0x21: {  	s3 =	sadd.s32 s3, s9;
	s6 =	sadd.s32 @!p0 $0x88, s6;
	s7 =	simm.s32 @p2 $0x1082  }
0x22: {  	[simem:s7], [sflag:s8] =	dma.local @!p0 [hbm:s6], $0xF7A  }
0x23: {  	s9 =	sor.u32 $0xD0000000, s2;
	s6 =	simm.s32 $0x108;
	_ =	swait.ge @!p0 [sflag:s8], $0x0  }
0x24: {  	s3 =	sadd.s32 $0x88, s3;
	s6 =	simm.s32 @!p1 $0x1082;
	[sflag:s4] =	ssyncset.s32 $0xFFFFF086  }
0x25: {  	[simem:s6], [sflag:s4] =	dma.local [hbm:s3], $0xF7A  }
0x26: {  	[smem:$0x3F9B] =	sst s1;
	(tag) =	ssettag s2;
	_ =	strace s9  }
0x27: {  	s1 =	sld [smem:$0x3FAB]  }
0x28: {  	s2 =	sld [smem:$0x3FAC]  }
0x29: {  	s4 =	sld [smem:$0x3FAE]  }
0x2a: {  	p0 =	seq.s32 s5, $0x0;
	s5 =	sld [smem:$0x3FAF]  }
0x2b: {  	s6 =	sld [smem:$0x3FB0]  }
0x2c: {  	s7 =	sld [smem:$0x3FB1]  }
0x2d: {  	s3 =	simm.s32 $0x108;
	s8 =	sld [smem:$0x3FB2]  }
0x2e: {  	s3 =	simm.s32 @!p0 $0x1082;
	s9 =	sld [smem:$0x3FB3]  }
0x2f: {  	lr =	sadd.s32 s0, s3;
	s0 =	sld [smem:$0x3FAA]  }
0x30: {  	s3 =	sld [smem:$0x3FAD]  }
0x31: {  	[smem:$0x3FB6] =	sst s10  }
0x32: {  	s10 =	sld [smem:$0x3FB4];
	_ =	sdelay $0x3  }
0x33: {  	p0 =	seq.s32 s10, $0x1;
	s10 =	sld [smem:$0x3FB6];
	_ =	sdelay $0x3  }
0x34: {  	[smem:$0x3FB6] =	sst s10  }
0x35: {  	s10 =	sld [smem:$0x3FB5];
	_ =	sdelay $0x3  }
0x36: {  	p1 =	seq.s32 s10, $0x1;
	s10 =	sld [smem:$0x3FB6];
	_ =	sdelay $0x3  }
0x37: {  	[smem:$0x3FB6] =	sst s10  }
0x38: {  	s10 =	sld [smem:$0x3FB7]  }
0x39: {  	_ = 	snop;
	(pc) =	sbr.ind lr, $3  }
0x3a: {  	_ = 	snop  }
0x3b: {  	_ = 	snop  }
0x3c: {  	p2 =	seq.s32 s10, $0x1;
	s10 =	sld [smem:$0x3FB6]  }
0x3d: {  	_ =	shalt  }
0x3e: {  	_ =	shalt  }
0x3f: {  	_ =	shalt  }
0x40: {  	_ =	shalt  }
0x41: {  	_ =	shalt  }
0x42: {  	_ =	shalt  }
0x43: {  	_ =	shalt  }
0x44: {  	_ =	shalt  }
0x45: {  	_ =	shalt  }
0x46: {  	_ =	shalt  }
0x47: {  	_ =	shalt  }
0x48: {  	_ =	shalt  }
0x49: {  	_ =	shalt  }
0x4a: {  	_ =	shalt  }
0x4b: {  	_ =	shalt  }
0x4c: {  	_ =	shalt  }
0x4d: {  	_ =	shalt  }
0x4e: {  	_ =	shalt  }
0x4f: {  	_ =	shalt  }
0x50: {  	_ =	shalt  }
0x51: {  	_ =	shalt  }
0x52: {  	_ =	shalt  }
0x53: {  	_ =	shalt  }
0x54: {  	_ =	shalt  }
0x55: {  	_ =	shalt  }
0x56: {  	_ =	shalt  }
0x57: {  	_ =	shalt  }
0x58: {  	_ =	shalt  }
0x59: {  	_ =	shalt  }
0x5a: {  	_ =	shalt  }
0x5b: {  	_ =	shalt  }
0x5c: {  	_ =	shalt  }
0x5d: {  	_ =	shalt  }
0x5e: {  	_ =	shalt  }
0x5f: {  	_ =	shalt  }
0x60: {  	_ =	shalt  }
0x61: {  	_ =	shalt  }
0x62: {  	_ =	shalt  }
0x63: {  	_ =	shalt  }
0x64: {  	_ =	shalt  }
0x65: {  	_ =	shalt  }
0x66: {  	_ =	shalt  }
0x67: {  	_ =	shalt  }
0x68: {  	_ =	shalt  }
0x69: {  	_ =	shalt  }
0x6a: {  	_ =	shalt  }
0x6b: {  	_ =	shalt  }
0x6c: {  	_ =	shalt  }
0x6d: {  	_ =	shalt  }
0x6e: {  	_ =	shalt  }
0x6f: {  	_ =	shalt  }
0x70: {  	_ =	shalt  }
0x71: {  	_ =	shalt  }
0x72: {  	_ =	shalt  }
0x73: {  	_ =	shalt  }
0x74: {  	_ =	shalt  }
0x75: {  	_ =	shalt  }
0x76: {  	_ =	shalt  }
0x77: {  	_ =	shalt  }
0x78: {  	_ =	shalt  }
0x79: {  	_ =	shalt  }
0x7a: {  	_ =	shalt  }
0x7b: {  	_ =	shalt  }
0x7c: {  	_ =	shalt  }
0x7d: {  	_ =	shalt  }
0x7e: {  	_ =	shalt  }
0x7f: {  	_ =	shalt  }
0x80: {  	_ =	shalt  }
0x81: {  	_ =	shalt  }
0x82: {  	_ =	shalt  }
0x83: {  	_ =	shalt  }
0x84: {  	_ =	shalt  }
0x85: {  	_ =	shalt  }
0x86: {  	_ =	shalt  }
0x87: {  	_ =	shalt  }
.Lfunc_end0:
.L_simem_size_0:
called_computation.2_lowered:
.L_overlay_start_0:
0x88: {  	s2 =	sld [smem:$0x3FD9]  }
0x89: {  	s3 =	sld [smem:$0x3FFE];
	_ =	sdelay $0x1  }
0x8a: {  	s1 =	srdreg.scid  }
0x8b: {  	s0 =	sand.u32 $0x1, s1  }
0x8c: {  	s17 =	sshll.u32 s0, $0xA;
	s2 =	sadd.s32 s3, s2  }
0x8d: {  	s2 =	sadd.s32 s2, s17  }
0x8e: {  	[smem:$0x3FC2] =	sst s2  }
0x8f: {  	_ = 	snop  }
0x90: {  	s2 =	sld [smem:$0x3FD0];
	(tm) =	ssettm $0x1  }
0x91: {  	s18 =	sld [smem:$0x3FFB];
	_ =	sdelay $0x3  }
0x92: {  	_ =	strace s18  }
0x93: {  	s3 =	sld [smem:$0x3FFC];
	_ =	sdelay $0x3  }
0x94: {  	_ =	strace s3  }
0x95: {  	s3 =	sld [smem:$0x3FFD];
	_ =	sdelay $0x3  }
0x96: {  	_ =	strace s3  }
0x97: {  	_ =	strace $0x8FFFFFFF  }
0x98: {  	s19 =	sld [smem:$0x3FDB];
	_ =	sdelay $0x1  }
0x99: {  	s4 =	simm.s32 $_scs_section_size  }
0x9a: {  	s5 =	simm.s32 $_size__tile_overlayer_lowered;
	s6 =	simm.s32 $_tile_overlayer_lowered  }
0x9b: {  	s22 =	simm.s32 $0x1BFF;
	s21 =	sshll.u32 s6, $0x1;
	s3 =	sadd.s32 s4, s19  }
0x9c: {  	s7 =	simm.s32 $0x0;
	s20 =	sshll.u32 s5, $0x1;
	s5 =	sadd.s32 s21, s3  }
0x9d: {  	[timem:s7], [sflag:s22] =	dma.local [hbm:s5], s20  }
0x9e: {  	_ =	swait.ge [sflag:s22], s20  }
0x9f: {  	s4 =	ssub.s32 $0x0, s20;
	[sflag:s22] =	ssyncset.done $0x0  }
0xa0: {  	[sflag:s22] =	ssyncadd.s32 s4;
	_ =	sdelay $0x1  }
0xa1: {  	s23 =	simm.s32 $0x1B8B  }
0xa2: {  	_ =	swait.ge [sflag:s23], $0x1  }
0xa3: {  	[sflag:s23] =	ssyncset.done $0x0  }
0xa4: {  	s25 =	simm.s32 $0x1B8E;
	s24 =	sld [smem:$0x3FFE];
	[sflag:s23] =	ssyncadd.s32 $0xFFFFFFFF  }
0xa5: {  	s26 =	simm.s32 $execute0_lowered;
	[smem:$0x3FD2] =	sst s25  }
0xa6: {  	s5 =	sshll.u32 s26, $0x1;
	_ =	strace $0x8000004C;
	[dreg:$0x1] =	wrdreg $0xFFFFFFFF  }
0xa7: {  	s28 =	simm.s32 $_size_execute0_lowered;
	s3 =	sadd.s32 s3, s5;
	[dreg:$0x0] =	wrdreg $0x0  }
0xa8: {  	s5 =	sshll.u32 s28, $0x1;
	[dreg:$0x2] =	wrdreg s3  }
0xa9: {  	[dreg:$0x3] =	wrdreg s5  }
0xaa: {  	[dreg:$0x4] =	wrdreg $0xC0  }
0xab: {  	_ =	task [dreg:s7], $0x5FFFF  }
0xac: {  	[dreg:$0x1] =	wrdreg $0xFFFFFFFF  }
0xad: {  	[dreg:$0x0] =	wrdreg $0x60  }
0xae: {  	[dreg:$0x2] =	wrdreg s24  }
0xaf: {  	[dreg:$0x3] =	wrdreg s2  }
0xb0: {  	[dreg:$0x4] =	wrdreg $0x0  }
0xb1: {  	[dreg:$0x5] =	wrdreg $0x9  }
0xb2: {  	_ =	task.clear_ibuf [dreg:s7], $0x6FFFF;
	_ =	strace $0x9000004C  }
0xb3: {  	s29 =	simm.s32 $0x9;
	_ =	strace $0x8000004E  }
0xb4: {  	_ =	swait.ge [sflag:s29], $0x1  }
0xb5: {  	[sflag:s29] =	ssyncadd.s32 $0xFFFFFFFF  }
0xb6: {  	_ =	strace $0x9000004E  }
0xb7: {  	_ =	sfence  }
0xb8: {  	s30 =	sld [smem:$0x0];
	_ =	sdelay $0x2  }
0xb9: {  	s31 =	sshll.u32 s1, $0xD;
	s1 =	sshrl.u32 s1, $0x2  }
0xba: {  	s3 =	sand.u32 $0x4000, s31;
	s1 =	sadd.s32 s1, s30  }
0xbb: {  	s0 =	sor.u32 s3, s0;
	s1 =	sshll.u32 s1, $0x11  }
0xbc: {  	s0 =	sor.u32 s1, s0  }
0xbd: {  	s0 =	sadd.s32 $0x8F2B, s0  }
0xbe: {  	[sflag:s0] =	ssyncadd.remote.s32 $0x1  }
0xbf: {  	_ =	sfence.sel $0xFFFF  }
0xc0: {  	[dreg:$0x0] =	wrdreg $0xFFFFFFFF;
	(pc) =	sbr.abs _section_cstart, $3  }
0xc1: {  	[dreg:$0x1] =	wrdreg $0xFFFFFFFF  }
0xc2: {  	_ =	task.clear_ibuf [dreg:s7], $0x2FFFF;
	_ =	strace $0x9FFFFFFF  }
0xc3: {  	(tm) =	ssettm $0x7FFFFFFF  }
tec
execute0_lowered:
.L_overlay_start_1:
0x0: {  	(tag) =	ssettag $0x1  }
0x1: {  	s6 =	rddreg [dreg:$0x0]  }
0x2: {  	s7 =	rddreg [dreg:$0x1]  }
0x3: {  	s0 =	srdreg.scid;
	s2 =	rddreg [dreg:$0x2]  }
0x4: {  	s1 =	rddreg [dreg:$0x3];
	s8 =	sand.u32 $0x1, s0  }
0x5: {  	s3 =	simm.s32 $0x0;
	s0 =	stileid.u32;
	s4 =	smul.u32 $0x28000, s8  }
0x6: {  	s15 =	simm.s32 $0x80;
	s16 =	simm.s32 $0x19000;
	s5 =	smul.u32 $0x2800, s0  }
0x7: {  	s17 =	simm.s32 $0x1;
	[smem:$0x7FF] =	sst s3;
	s9 =	smul.u32 $0x140000, s8  }
0x8: {  	s18 =	simm.s32 $0x0;
	s10 =	smul.u32 $0x14000, s0;
	_ =	strace $0x8000004D  }
0x9: {  	s12 =	smul.u32 $0x50000, s0;
	s31 =	ssub.s32 $0x2, s8;
	s13 =	sshll.u32 s0, $0x6  }
0xa: {  	s8 =	sshrl.u32 s31, $0x1;
	s5 =	sadd.s32 s5, s4;
	s4 =	sadd.s32 $0x1FE00, s6  }
0xb: {  	s29 =	sadd.s32 s10, s9;
	s12 =	sshrl.u32 s12, $0x2;
	s14 =	ssub.s32 s31, s8  }
0xc: {  	s11 =	sshrl.u32 s5, $0x3;
	s10 =	sshrl.u32 s29, $0x3;
	s5 =	sadd.s32 $0x2000, s6  }
0xd: {  	s12 =	sadd.s32 s12, s2;
	s30 =	sadd.s32 s11, s6;
	s10 =	sadd.s32 s10, s6  }
0xe: {  	s6 =	sor.u32 $0x1C02, s13;
	s7 =	sadd.s32 s7, s11;
	s11 =	sshrl.u32 s12, $0x3  }
0xf: {  	s12 =	simm.s32 $0x2;
	s13 =	simm.s32 $0x14000;
	s8 =	sadd.s32 $0x15E00, s30  }
0x10: {  	s9 =	sadd.s32 $0x47E00, s10;
	s10 =	smax.u32 s14, $0x1;
	s14 =	simm.s32 $0x16800  }
.LBB2_1:
0x11: {  	[spmem:s11], [sflag:s6] =	dma.local [hbm:s5], $0x2800  }
0x12: {  	_ =	swait.ge [sflag:s12], $0x2800  }
0x13: {  	[sflag:s12] =	ssyncset.done $0x0  }
0x14: {  	[sflag:s12] =	ssyncadd.s32 $0xFFFFD800  }
0x15: {  	[tilespmem:s13], [sflag:$0x2] =	stream.linear.gather [hbm4b:s7+s3], $0x2780, $0x38;
	[tilespmem:$0x1D000] =	vst v63  }
0x16: {  	_ =	swait.ge [sflag:s12], $0x2780  }
0x17: {  	[sflag:s12] =	ssyncset.done $0x0  }
0x18: {  	[sflag:s12] =	ssyncadd.s32 $0xFFFFD880  }
0x19: {  	[tilespmem:s14], [sflag:$0x2] =	stream.linear.gather [hbm4b:s8+s3], $0x2780, $0x38;
	[tilespmem:$0x1D000] =	vst v63  }
0x1a: {  	_ =	swait.ge [sflag:s12], $0x2780  }
0x1b: {  	[sflag:s12] =	ssyncset.done $0x0  }
0x1c: {  	[sflag:s12] =	ssyncadd.s32 $0xFFFFD880  }
0x1d: {  	s19 =	simm.s32 $0x14000;
	[bflag:$0x0] =	sbarrier.arrive $0xFFFF  }
0x1e: {  	[tilespmem:s16], [sflag:$0x1] =	stream.indirect.gather [hbm4b:s4+s15], $0x80, s19, s15, $0xb8;
	[tilespmem:$0x1D000] =	vst v63  }
0x1f: {  	_ =	swait.ge [sflag:s17], $0x4000  }
0x20: {  	[sflag:s17] =	ssyncset.done $0x0  }
0x21: {  	s31 =	simm.s32 $0x16800;
	[sflag:s17] =	ssyncadd.s32 $0xFFFFC000  }
0x22: {  	[spmem:s2] =	stream.indirect.scatter.add.f32 [tilespmem:s16], [sflag:$0x2], $0x80, s31, s15, $0xb8;
	[tilespmem:$0x1D000] =	vst v63  }
0x23: {  	_ =	swait.ge [sflag:s12], $0x4000  }
0x24: {  	s20 =	simm.s32 $0x400;
	s19 =	simm.s32 $0x80;
	[sflag:s12] =	ssyncset.done $0x0  }
.LBB2_2:
0x25: {  	s21 =	sadd.s32 $0x14000, s19  }
0x26: {  	[sflag:s12] =	ssyncadd.s32 $0xFFFFC000;
	s22 =	smov.u32 s20;
	s23 =	sadd.s32 $0x200, s20  }
0x27: {  	[tilespmem:s16], [sflag:$0x1] =	stream.indirect.gather [hbm4b:s4+s15], $0x80, s21, s15, $0xb8;
	[tilespmem:$0x1D000] =	vst v63  }
0x28: {  	p0 =	sne.s32 s20, $0x9C00;
	_ =	swait.ge [sflag:s17], $0x4000  }
.Ltmp0:
0x29: {  	[sflag:s17] =	ssyncset.done $0x0;
	(pc) =	sbr.rel @p0 .LBB2_2-.Ltmp0, $4  }
0x2a: {  	s19 =	sadd.s32 $0x16800, s19;
	[sflag:s17] =	ssyncadd.s32 $0xFFFFC000  }
0x2b: {  	[spmem:s2] =	stream.indirect.scatter.add.f32 [tilespmem:s16], [sflag:$0x2], $0x80, s19, s15, $0xb8;
	[tilespmem:$0x1D000] =	vst v63  }
0x2c: {  	_ =	swait.ge [sflag:s12], $0x4000  }
0x2d: {  	s20 =	smov.u32 s23;
	s19 =	sshra.s32 s22, $0x2;
	[sflag:s12] =	ssyncset.done $0x0  }
0x2e: {  	s20 =	sadd.s32 $0x14000, s19;
	[sflag:s12] =	ssyncadd.s32 $0xFFFFC000  }
0x2f: {  	[tilespmem:s16], [sflag:$0x1] =	stream.indirect.gather [hbm4b:s4+s15], $0x80, s20, s15, $0xb8;
	[tilespmem:$0x1D000] =	vst v63  }
0x30: {  	_ =	swait.ge [sflag:s17], $0x4000  }
0x31: {  	[sflag:s17] =	ssyncset.done $0x0  }
0x32: {  	s31 =	sadd.s32 $0x16800, s19;
	[sflag:s17] =	ssyncadd.s32 $0xFFFFC000  }
0x33: {  	[spmem:s2] =	stream.indirect.scatter.add.f32 [tilespmem:s16], [sflag:$0x2], $0x80, s31, s15, $0xb8;
	[tilespmem:$0x1D000] =	vst v63  }
0x34: {  	_ =	swait.ge [sflag:s12], $0x4000  }
0x35: {  	s18 =	sadd.s32 $0x1, s18;
	[sflag:s12] =	ssyncset.done $0x0  }
0x36: {  	p0 =	sne.s32 s18, s10;
	[sflag:s12] =	ssyncadd.s32 $0xFFFFC000  }
.Ltmp1:
0x37: {  	[bflag:$0x0] =	sbarrier.arrive $0xFFFF;
	(pc) =	sbr.rel @p0 .LBB2_1-.Ltmp1, $4  }
0x38: {  	[hbm:s9], [sflag:s6] =	dma.local [spmem:s11], $0x2800  }
0x39: {  	_ =	swait.ge [sflag:s12], $0x2800  }
0x3a: {  	[sflag:s12] =	ssyncset.done $0x0  }
0x3b: {  	[sflag:s12] =	ssyncadd.s32 $0xFFFFD800  }
0x3c: {  	_ =	sfence.sel $0x180000  }
0x3d: {  	[bflag:$0x0] =	sbarrier.arrive $0xFFFF  }
0x3e: {  	p0 =	sne.s32 s0, $0x0;
	_ =	strace $0x9000004D  }
0x3f: {  	s0 =	sadd.s32 @!p0 $0x100000, s1;
	[bflag:$0x2] =	sbarrier.arrive $0xFFFF  }
0x40: {  	[sflag:s0] =	ssyncadd.tile.s32 @!p0 $0x1;
	_ =	shalt  }
.Lfunc_end2:
_tile_overlayer_lowered:
.L_overlay_start_2:
0x41: {  	(tag) =	ssettag $0x2  }
0x42: {  	s0 =	rddreg [dreg:$0x0];
	s2 =	stileid.u32  }
0x43: {  	s1 =	rddreg [dreg:$0x1];
	p0 =	sne.s32 s2, $0x0  }
0x44: {  	s3 =	rddreg [dreg:$0x2];
	[bflag:$0x3] =	sbarrier.arrive $0xFFFF;
	s2 =	simm.s32 @!p0 $0x1C02  }
0x45: {  	[timem:s3], [sflag:s2] =	dma.local @!p0 [hbm:s0], s1  }
0x46: {  	s0 =	simm.s32 @!p0 $0x2  }
0x47: {  	_ =	swait.ge @!p0 [sflag:s0], s1  }
0x48: {  	s1 =	ssub.s32 @!p0 $0x0, s1;
	[sflag:s0] =	ssyncset.done @!p0 $0x0  }
0x49: {  	[sflag:s0] =	ssyncadd.s32 @!p0 s1  }
0x4a: {  	[bflag:$0x3] =	sbarrier.arrive $0xFFFF  }
0x4b: {  	_ =	shalt  }

// kernel: kernel.8.cloned.1.call-start
scs
__scs_entry_jumppad:
0x0: {  	(pc) =	sbr.rel $0x88, $3  }
0x1: {  	(tag) =	ssettag $0x0;
	lr =	simm.s32 $0x1  }
0x2: {  	[smem:$0x3F9B] =	sst lr;
	_ =	strace $0xD0000000  }
0x3: {  	_ = 	snop  }
0x4: {  	_ = 	snop  }
0x5: {  	_ = 	snop  }
0x6: {  	_ = 	snop  }
0x7: {  	_ = 	snop  }
__scs_overlays_trampoline_lowered:
0x8: {  	[smem:$0x3FAA] =	sst s0  }
0x9: {  	[smem:$0x3FAB] =	sst s1  }
0xa: {  	[smem:$0x3FAC] =	sst s2  }
0xb: {  	[smem:$0x3FAD] =	sst s3  }
0xc: {  	[smem:$0x3FAE] =	sst s4  }
0xd: {  	[smem:$0x3FAF] =	sst s5  }
0xe: {  	[smem:$0x3FB0] =	sst s6  }
0xf: {  	[smem:$0x3FB1] =	sst s7  }
0x10: {  	[smem:$0x3FB2] =	sst s8  }
0x11: {  	[smem:$0x3FB3] =	sst s9;
	s0 =	simm.s32 @!p0 $0x0  }
0x12: {  	s1 =	sld [smem:$0x3F99];
	s0 =	simm.s32 @p0 $0x1  }
0x13: {  	[smem:$0x3FB4] =	sst s0;
	s0 =	simm.s32 @!p1 $0x0  }
0x14: {  	s2 =	sld [smem:$0x3F98];
	s0 =	simm.s32 @p1 $0x1  }
0x15: {  	[smem:$0x3FB5] =	sst s0;
	s0 =	simm.s32 @!p2 $0x0  }
0x16: {  	s3 =	sld [smem:$0x3FDB];
	s0 =	simm.s32 @p2 $0x1  }
0x17: {  	s4 =	simm.s32 $0x1BF5;
	[smem:$0x3FB7] =	sst s0  }
0x18: {  	s0 =	sld [smem:$0x3F9A];
	_ =	swait.ge [sflag:s4], $0x0  }
0x19: {  	s7 =	sld [smem:$0x3F9B]  }
0x1a: {  	s8 =	sadd.s32 $0xFFFFE003, lr  }
0x1b: {  	s9 =	sadd.s32 $0xFFFFFEF7, lr;
	s5 =	simm.s32 $0xFFFFFFFF;
	p2 =	slt.u32 s8, $0xFFFFF086  }
0x1c: {  	p1 =	slt.u32 s9, $0xF7A;
	s5 =	simm.s32 @!p2 $0x0  }
0x1d: {  	s5 =	simm.s32 @p1 $0x1;
	p0 =	seq.s32 s7, s2  }
0x1e: {  	s7 =	smul.u32 @!p0 $0xF7A, s2;
	p2 =	seq.s32 @!p0 s5, $0x0  }
0x1f: {  	s9 =	smul.u32 $0xF7A, s1;
	s8 =	simm.s32 @!p0 $0x1BF5;
	p2 =	por !p2, p0  }
0x20: {  	[sflag:s8] =	ssyncset.s32 @!p0 $0xFFFFF086;
	s6 =	sadd.s32 @!p0 s3, s7;
	s7 =	simm.s32 @!p0 $0x108  }
0x21: {  	s3 =	sadd.s32 s3, s9;
	s6 =	sadd.s32 @!p0 $0x88, s6;
	s7 =	simm.s32 @p2 $0x1082  }
0x22: {  	[simem:s7], [sflag:s8] =	dma.local @!p0 [hbm:s6], $0xF7A  }
0x23: {  	s9 =	sor.u32 $0xD0000000, s2;
	s6 =	simm.s32 $0x108;
	_ =	swait.ge @!p0 [sflag:s8], $0x0  }
0x24: {  	s3 =	sadd.s32 $0x88, s3;
	s6 =	simm.s32 @!p1 $0x1082;
	[sflag:s4] =	ssyncset.s32 $0xFFFFF086  }
0x25: {  	[simem:s6], [sflag:s4] =	dma.local [hbm:s3], $0xF7A  }
0x26: {  	[smem:$0x3F9B] =	sst s1;
	(tag) =	ssettag s2;
	_ =	strace s9  }
0x27: {  	s1 =	sld [smem:$0x3FAB]  }
0x28: {  	s2 =	sld [smem:$0x3FAC]  }
0x29: {  	s4 =	sld [smem:$0x3FAE]  }
0x2a: {  	p0 =	seq.s32 s5, $0x0;
	s5 =	sld [smem:$0x3FAF]  }
0x2b: {  	s6 =	sld [smem:$0x3FB0]  }
0x2c: {  	s7 =	sld [smem:$0x3FB1]  }
0x2d: {  	s3 =	simm.s32 $0x108;
	s8 =	sld [smem:$0x3FB2]  }
0x2e: {  	s3 =	simm.s32 @!p0 $0x1082;
	s9 =	sld [smem:$0x3FB3]  }
0x2f: {  	lr =	sadd.s32 s0, s3;
	s0 =	sld [smem:$0x3FAA]  }
0x30: {  	s3 =	sld [smem:$0x3FAD]  }
0x31: {  	[smem:$0x3FB6] =	sst s10  }
0x32: {  	s10 =	sld [smem:$0x3FB4];
	_ =	sdelay $0x3  }
0x33: {  	p0 =	seq.s32 s10, $0x1;
	s10 =	sld [smem:$0x3FB6];
	_ =	sdelay $0x3  }
0x34: {  	[smem:$0x3FB6] =	sst s10  }
0x35: {  	s10 =	sld [smem:$0x3FB5];
	_ =	sdelay $0x3  }
0x36: {  	p1 =	seq.s32 s10, $0x1;
	s10 =	sld [smem:$0x3FB6];
	_ =	sdelay $0x3  }
0x37: {  	[smem:$0x3FB6] =	sst s10  }
0x38: {  	s10 =	sld [smem:$0x3FB7]  }
0x39: {  	_ = 	snop;
	(pc) =	sbr.ind lr, $3  }
0x3a: {  	_ = 	snop  }
0x3b: {  	_ = 	snop  }
0x3c: {  	p2 =	seq.s32 s10, $0x1;
	s10 =	sld [smem:$0x3FB6]  }
0x3d: {  	_ =	shalt  }
0x3e: {  	_ =	shalt  }
0x3f: {  	_ =	shalt  }
0x40: {  	_ =	shalt  }
0x41: {  	_ =	shalt  }
0x42: {  	_ =	shalt  }
0x43: {  	_ =	shalt  }
0x44: {  	_ =	shalt  }
0x45: {  	_ =	shalt  }
0x46: {  	_ =	shalt  }
0x47: {  	_ =	shalt  }
0x48: {  	_ =	shalt  }
0x49: {  	_ =	shalt  }
0x4a: {  	_ =	shalt  }
0x4b: {  	_ =	shalt  }
0x4c: {  	_ =	shalt  }
0x4d: {  	_ =	shalt  }
0x4e: {  	_ =	shalt  }
0x4f: {  	_ =	shalt  }
0x50: {  	_ =	shalt  }
0x51: {  	_ =	shalt  }
0x52: {  	_ =	shalt  }
0x53: {  	_ =	shalt  }
0x54: {  	_ =	shalt  }
0x55: {  	_ =	shalt  }
0x56: {  	_ =	shalt  }
0x57: {  	_ =	shalt  }
0x58: {  	_ =	shalt  }
0x59: {  	_ =	shalt  }
0x5a: {  	_ =	shalt  }
0x5b: {  	_ =	shalt  }
0x5c: {  	_ =	shalt  }
0x5d: {  	_ =	shalt  }
0x5e: {  	_ =	shalt  }
0x5f: {  	_ =	shalt  }
0x60: {  	_ =	shalt  }
0x61: {  	_ =	shalt  }
0x62: {  	_ =	shalt  }
0x63: {  	_ =	shalt  }
0x64: {  	_ =	shalt  }
0x65: {  	_ =	shalt  }
0x66: {  	_ =	shalt  }
0x67: {  	_ =	shalt  }
0x68: {  	_ =	shalt  }
0x69: {  	_ =	shalt  }
0x6a: {  	_ =	shalt  }
0x6b: {  	_ =	shalt  }
0x6c: {  	_ =	shalt  }
0x6d: {  	_ =	shalt  }
0x6e: {  	_ =	shalt  }
0x6f: {  	_ =	shalt  }
0x70: {  	_ =	shalt  }
0x71: {  	_ =	shalt  }
0x72: {  	_ =	shalt  }
0x73: {  	_ =	shalt  }
0x74: {  	_ =	shalt  }
0x75: {  	_ =	shalt  }
0x76: {  	_ =	shalt  }
0x77: {  	_ =	shalt  }
0x78: {  	_ =	shalt  }
0x79: {  	_ =	shalt  }
0x7a: {  	_ =	shalt  }
0x7b: {  	_ =	shalt  }
0x7c: {  	_ =	shalt  }
0x7d: {  	_ =	shalt  }
0x7e: {  	_ =	shalt  }
0x7f: {  	_ =	shalt  }
0x80: {  	_ =	shalt  }
0x81: {  	_ =	shalt  }
0x82: {  	_ =	shalt  }
0x83: {  	_ =	shalt  }
0x84: {  	_ =	shalt  }
0x85: {  	_ =	shalt  }
0x86: {  	_ =	shalt  }
0x87: {  	_ =	shalt  }
.Lfunc_end0:
.L_simem_size_0:
called_computation_lowered:
.L_overlay_start_0:
0x88: {  	s2 =	sld [smem:$0x3FD9]  }
0x89: {  	s3 =	sld [smem:$0x3FFE];
	_ =	sdelay $0x1  }
0x8a: {  	s1 =	srdreg.scid  }
0x8b: {  	s0 =	sand.u32 $0x1, s1  }
0x8c: {  	s16 =	sshll.u32 s0, $0xA;
	s2 =	sadd.s32 s3, s2  }
0x8d: {  	s2 =	sadd.s32 s2, s16  }
0x8e: {  	[smem:$0x3FC2] =	sst s2  }
0x8f: {  	_ = 	snop  }
0x90: {  	(tm) =	ssettm $0x1  }
0x91: {  	s17 =	sld [smem:$0x3FFB];
	_ =	sdelay $0x3  }
0x92: {  	_ =	strace s17  }
0x93: {  	s2 =	sld [smem:$0x3FFC];
	_ =	sdelay $0x3  }
0x94: {  	_ =	strace s2  }
0x95: {  	s2 =	sld [smem:$0x3FFD];
	_ =	sdelay $0x3  }
0x96: {  	_ =	strace s2  }
0x97: {  	_ =	strace $0x8FFFFFFF  }
0x98: {  	s18 =	sld [smem:$0x3FDB];
	_ =	sdelay $0x1  }
0x99: {  	s19 =	simm.s32 $_scs_section_size  }
0x9a: {  	s4 =	simm.s32 $_size__tile_overlayer_lowered;
	s5 =	simm.s32 $_tile_overlayer_lowered  }
0x9b: {  	s22 =	simm.s32 $0x1BFF;
	s21 =	sshll.u32 s5, $0x1;
	s2 =	sadd.s32 s19, s18  }
0x9c: {  	s6 =	simm.s32 $0x0;
	s20 =	sshll.u32 s4, $0x1;
	s4 =	sadd.s32 s21, s2  }
0x9d: {  	[timem:s6], [sflag:s22] =	dma.local [hbm:s4], s20  }
0x9e: {  	_ =	swait.ge [sflag:s22], s20  }
0x9f: {  	s3 =	ssub.s32 $0x0, s20;
	[sflag:s22] =	ssyncset.done $0x0  }
0xa0: {  	[sflag:s22] =	ssyncadd.s32 s3;
	_ =	sdelay $0x1  }
0xa1: {  	s23 =	simm.s32 $0x1B8B  }
0xa2: {  	_ =	swait.ge [sflag:s23], $0x1  }
0xa3: {  	[sflag:s23] =	ssyncset.done $0x0  }
0xa4: {  	s25 =	simm.s32 $0x1B8E;
	s24 =	sld [smem:$0x3FFE];
	[sflag:s23] =	ssyncadd.s32 $0xFFFFFFFF  }
0xa5: {  	s26 =	simm.s32 $execute0_lowered;
	[smem:$0x3FD2] =	sst s25  }
0xa6: {  	s4 =	sshll.u32 s26, $0x1;
	_ =	strace $0x80000046;
	[dreg:$0x1] =	wrdreg $0xFFFFFFFF  }
0xa7: {  	s28 =	simm.s32 $_size_execute0_lowered;
	s2 =	sadd.s32 s2, s4;
	[dreg:$0x0] =	wrdreg $0x0  }
0xa8: {  	s4 =	sshll.u32 s28, $0x1;
	[dreg:$0x2] =	wrdreg s2  }
0xa9: {  	[dreg:$0x3] =	wrdreg s4  }
0xaa: {  	[dreg:$0x4] =	wrdreg $0xC0  }
0xab: {  	_ =	task [dreg:s6], $0x5FFFF  }
0xac: {  	[dreg:$0x1] =	wrdreg $0xFFFFFFFF  }
0xad: {  	[dreg:$0x0] =	wrdreg $0x60  }
0xae: {  	[dreg:$0x2] =	wrdreg s24  }
0xaf: {  	[dreg:$0x3] =	wrdreg $0x9  }
0xb0: {  	_ =	task.clear_ibuf [dreg:s6], $0x4FFFF;
	_ =	strace $0x90000046  }
0xb1: {  	s29 =	simm.s32 $0x9;
	_ =	strace $0x80000048  }
0xb2: {  	_ =	swait.ge [sflag:s29], $0x1  }
0xb3: {  	[sflag:s29] =	ssyncadd.s32 $0xFFFFFFFF  }
0xb4: {  	_ =	strace $0x90000048  }
0xb5: {  	_ =	sfence  }
0xb6: {  	s30 =	sld [smem:$0x0];
	_ =	sdelay $0x2  }
0xb7: {  	s31 =	sshll.u32 s1, $0xD;
	s1 =	sshrl.u32 s1, $0x2  }
0xb8: {  	s3 =	sand.u32 $0x4000, s31;
	s1 =	sadd.s32 s1, s30  }
0xb9: {  	s0 =	sor.u32 s3, s0;
	s1 =	sshll.u32 s1, $0x11  }
0xba: {  	s0 =	sor.u32 s1, s0  }
0xbb: {  	s0 =	sadd.s32 $0x8F2B, s0  }
0xbc: {  	[sflag:s0] =	ssyncadd.remote.s32 $0x1  }
0xbd: {  	_ =	sfence.sel $0xFFFF  }
0xbe: {  	[dreg:$0x0] =	wrdreg $0xFFFFFFFF;
	(pc) =	sbr.abs _section_cstart, $3  }
0xbf: {  	[dreg:$0x1] =	wrdreg $0xFFFFFFFF  }
0xc0: {  	_ =	task.clear_ibuf [dreg:s6], $0x2FFFF;
	_ =	strace $0x9FFFFFFF  }
0xc1: {  	(tm) =	ssettm $0x7FFFFFFF  }
tec
execute0_lowered:
.L_overlay_start_1:
0x0: {  	(tag) =	ssettag $0x1  }
0x1: {  	s3 =	rddreg [dreg:$0x0];
	s2 =	srdreg.scid  }
0x2: {  	s0 =	rddreg [dreg:$0x1];
	s1 =	stileid.u32  }
0x3: {  	s9 =	simm.s32 $0x2780;
	s4 =	sand.u32 $0x1, s2;
	s6 =	sshrl.u32 s1, $0x3  }
0x4: {  	s2 =	simm.s32 $0x0;
	s5 =	smul.u32 $0x27800, s4;
	s7 =	sshll.u32 s4, $0x4  }
0x5: {  	s8 =	sshll.u32 s1, $0x7;
	s6 =	smul.u32 $0x13C00, s6;
	s7 =	sor.u32 s1, s7  }
0x6: {  	[smem:$0x7FF] =	sst s2;
	s30 =	sand.u32 $0x380, s8;
	s7 =	sshrl.u32 s7, $0x3  }
0x7: {  	s4 =	ssub.s32 $0x2, s4;
	s5 =	sadd.s32 s5, s6;
	s7 =	smul.u32 $0x14000, s7  }
0x8: {  	s8 =	simm.s32 $0x1;
	_ =	strace $0x80000047;
	s5 =	sor.u32 s30, s5  }
0x9: {  	s31 =	sshrl.u32 s4, $0x1;
	s5 =	sshrl.u32 s5, $0x3;
	s6 =	sor.u32 s30, s7  }
0xa: {  	s5 =	sadd.s32 s5, s3;
	s7 =	ssub.s32 s4, s31;
	s6 =	sshrl.u32 s6, $0x3  }
0xb: {  	s6 =	sadd.s32 s6, s3;
	s3 =	sadd.s32 $0x2000, s5;
	s5 =	smax.u32 s7, $0x1  }
0xc: {  	v0 =	vimm.f32 $0.0e+00;
	v1 =	vimm.f32 $1.000000000e+00;
	s7 =	simm.s32 $0x400;
	s4 =	sadd.s32 $0xBE00, s6;
	s6 =	simm.s32 $0x80  }
.LBB2_1:
0xd: {  	s10 =	simm.s32 $0x40;
	s11 =	simm.s32 $0x0  }
.LBB2_2:
0xe: {  	p0 =	sne.s32 s10, $0x9FC0;
	[tilespmem:s11+$0x2780] =	vst v0;
	s11 =	smov.u32 s10;
	s10 =	sadd.s32 $0x40, s10  }
.Ltmp0:
0xf: {  	(pc) =	sbr.rel @p0 .LBB2_2-.Ltmp0, $2  }
0x10: {  	_ =	sdelay $0x2  }
0x11: {  	s11 =	sshra.s32 s11, $0x2  }
0x12: {  	[tilespmem:s11+$0x2780] =	vst v0;
	s10 =	simm.s32 $0x0  }
0x13: {  	[tilespmem:s10], [sflag:$0x1] =	stream.strided.gather [hbm4b:s3+s6], $0x2780, s7, s6, $0x38;
	[tilespmem:$0x4F80] =	vst v63  }
0x14: {  	_ =	swait.ge [sflag:s8], $0x2780  }
0x15: {  	[sflag:s8] =	ssyncset.done $0x0  }
0x16: {  	s11 =	simm.s32 $0x0;
	s10 =	simm.s32 $0x40;
	[sflag:s8] =	ssyncadd.s32 $0xFFFFD880  }
.LBB2_4:
0x17: {  	p0 =	sne.s32 s10, $0x9DC0;
	v2 =	vld [tilespmem:s11+$0x0];
	_ =	sdelay $0x3  }
.Ltmp1:
0x18: {  	(pc) =	sbr.rel @p0 .LBB2_4-.Ltmp1, $2  }
0x19: {  	_ =	sdelay $0x2  }
0x1a: {  	s11 =	sshra.s32 s10, $0x2;
	s10 =	sadd.s32 $0x40, s10;
	[tilespmem:v2+s9+$0x0] =	vst.idx.add.f32.msk $0xffff, v1  }
0x1b: {  	v2 =	vld [tilespmem:s11+$0x0];
	_ =	sdelay $0x5  }
0x1c: {  	s2 =	sadd.s32 $0x1, s2  }
0x1d: {  	p0 =	sne.s32 s2, s5  }
.Ltmp2:
0x1e: {  	[tilespmem:v2+s9+$0x0] =	vst.idx.add.f32.msk $0xffff, v1;
	(pc) =	sbr.rel @p0 .LBB2_1-.Ltmp2, $4  }
0x1f: {  	[hbm4b:s4+s6] =	stream.strided.scatter [tilespmem:s9], [sflag:$0x1], $0x2800, s7, s6, $0x38;
	[tilespmem:$0x4F80] =	vst v63  }
0x20: {  	_ =	swait.ge [sflag:s8], $0x2800  }
0x21: {  	[sflag:s8] =	ssyncset.done $0x0  }
0x22: {  	[sflag:s8] =	ssyncadd.s32 $0xFFFFD800  }
0x23: {  	_ =	sfence.sel $0x180000  }
0x24: {  	[bflag:$0x0] =	sbarrier.arrive $0xFFFF  }
0x25: {  	p0 =	sne.s32 s1, $0x0;
	_ =	strace $0x90000047  }
0x26: {  	s0 =	sadd.s32 @!p0 $0x100000, s0;
	[bflag:$0x2] =	sbarrier.arrive $0xFFFF  }
0x27: {  	[sflag:s0] =	ssyncadd.tile.s32 @!p0 $0x1;
	_ =	shalt  }
.Lfunc_end2:
_tile_overlayer_lowered:
.L_overlay_start_2:
0x28: {  	(tag) =	ssettag $0x2  }
0x29: {  	s0 =	rddreg [dreg:$0x0];
	s2 =	stileid.u32  }
0x2a: {  	s1 =	rddreg [dreg:$0x1];
	p0 =	sne.s32 s2, $0x0  }
0x2b: {  	s3 =	rddreg [dreg:$0x2];
	[bflag:$0x3] =	sbarrier.arrive $0xFFFF;
	s2 =	simm.s32 @!p0 $0x1C01  }
0x2c: {  	[timem:s3], [sflag:s2] =	dma.local @!p0 [hbm:s0], s1  }
0x2d: {  	s0 =	simm.s32 @!p0 $0x1  }
0x2e: {  	_ =	swait.ge @!p0 [sflag:s0], s1  }
0x2f: {  	s1 =	ssub.s32 @!p0 $0x0, s1;
	[sflag:s0] =	ssyncset.done @!p0 $0x0  }
0x30: {  	[sflag:s0] =	ssyncadd.s32 @!p0 s1  }
0x31: {  	[bflag:$0x3] =	sbarrier.arrive $0xFFFF  }
0x32: {  	_ =	shalt  }

</sc_bundles>
